<compile_context>
chip_gen: v7x
topology: tpu7x:2x2x1
jax: 0.10.2.dev20260603
libtpu: 0.0.44.dev20260713+nightly
codegen_flags: <defaults>
</compile_context>

<pallas_src>
import jax
import jax.numpy as jnp
from jax import lax
from jax.experimental import pallas as pl
from jax.experimental.pallas import tpu as pltpu
from jax.experimental.pallas import tpu_sc as plsc

VOCAB = 1000000
HIDDEN = 64
HPAD = 128
L = 200
B = 1024
NW = 32
ROWS_PER_W = B // NW
TOK_PER_W = ROWS_PER_W * L
NCHUNK = ROWS_PER_W
LANES = 16
VPR = HIDDEN // LANES
GDEPTH = 2
ODEPTH = 2


def _body(ids_hbm, word_hbm, pos_hbm, out_hbm, idx_all, posblk, *rest):
    gbuf = rest[:GDEPTH]
    obuf = rest[GDEPTH:GDEPTH + ODEPTH]
    semg = rest[GDEPTH + ODEPTH:2 * GDEPTH + ODEPTH]
    sems = rest[2 * GDEPTH + ODEPTH:]

    wid = lax.axis_index("s") * 2 + lax.axis_index("c")
    base = wid * TOK_PER_W

    pltpu.sync_copy(ids_hbm.at[pl.ds(base, TOK_PER_W)], idx_all)
    pltpu.sync_copy(pos_hbm, posblk)

    def start_gather(c, s):
        off = c * L
        pltpu.async_copy(word_hbm.at[idx_all.at[pl.ds(off, 128)]],
                         gbuf[s].at[pl.ds(0, 128)], semg[s])
        pltpu.async_copy(word_hbm.at[idx_all.at[pl.ds(off + 128, 72)]],
                         gbuf[s].at[pl.ds(128, 72)], semg[s])

    def wait_gather(s):
        pltpu.make_async_copy(word_hbm.at[pl.ds(0, L)], gbuf[s], semg[s]).wait()

    def wait_store(s):
        pltpu.make_async_copy(obuf[s], out_hbm.at[pl.ds(0, L)], sems[s]).wait()

    for c in range(GDEPTH - 1):
        start_gather(c, c)

    def group(g, carry):
        for b in range(GDEPTH):
            c = g * GDEPTH + b
            so = b % ODEPTH

            @pl.when(c + GDEPTH - 1 < NCHUNK)
            def _():
                start_gather(c + GDEPTH - 1, (b + GDEPTH - 1) % GDEPTH)

            wait_gather(b)

            @pl.when(c >= ODEPTH)
            def _():
                wait_store(so)

            ob = obuf[so]
            gb = gbuf[b]

            @plsc.parallel_loop(0, L, step=1, unroll=8)
            def _(r):
                for j in range(VPR):
                    sl = pl.ds(j * LANES, LANES)
                    ob[r, sl] = gb[r, sl] + posblk[pl.ds(r * HIDDEN + j * LANES, LANES)]

            pltpu.async_copy(ob, out_hbm.at[pl.ds(base + c * L, L)], sems[so])
        return carry

    lax.fori_loop(0, NCHUNK // GDEPTH, group, 0)
    for s in range(ODEPTH):
        wait_store(s)


@jax.jit
def kernel(input_ids, word_emb, pos_emb):
    ids_flat = input_ids.reshape(-1).astype(jnp.int32)
    word_pad = jnp.pad(word_emb, ((0, 0), (0, HPAD - HIDDEN)))
    pos_lin = pos_emb[1:L + 1].reshape(-1)
    mesh = plsc.VectorSubcoreMesh(core_axis_name="c", subcore_axis_name="s")
    out = pl.kernel(
        _body,
        out_type=jax.ShapeDtypeStruct((B * L, HPAD), jnp.float32),
        mesh=mesh,
        scratch_types=(
            [pltpu.VMEM((TOK_PER_W,), jnp.int32),
             pltpu.VMEM((L * HIDDEN,), jnp.float32)]
            + [pltpu.VMEM((L, HPAD), jnp.float32)] * (GDEPTH + ODEPTH)
            + [pltpu.SemaphoreType.DMA] * (GDEPTH + ODEPTH)
        ),
    )(ids_flat, word_pad, pos_lin)
    return out.reshape(B, L, HPAD)[:, :, :HIDDEN]

# --- scband reference (transcript-rebuilt; emitter-appended) ---
"""Pipeline reference for scband-word-embeddings-6339371729221 (READ-ONLY COPY).

The authoritative reference and input builder live on the scoring server;
editing this copy changes nothing except your own understanding.
"""

import jax, jax.numpy as jnp
import numpy as np

VOCAB = 1000000
HIDDEN = 64
MAX_POSITION = 256
PADDING_IDX = 0
B, L = 1024, 200

def setup_inputs(seed: int = 0) -> dict:
    key = jax.random.key(seed)
    k1, k2, k3 = jax.random.split(key, 3)
    input_ids = jax.random.randint(k1, (B, L), 0, VOCAB, dtype=jnp.int64 if jax.config.jax_enable_x64 else jnp.int32)
    word_emb = jax.random.normal(k2, (VOCAB, HIDDEN), dtype=jnp.float32)
    # nn.Embedding zeroes the padding_idx row
    word_emb = word_emb.at[PADDING_IDX].set(0.0)
    pos_emb = jax.random.normal(k3, (MAX_POSITION + 1, HIDDEN), dtype=jnp.float32)
    pos_emb = pos_emb.at[PADDING_IDX].set(0.0)
    return {"input_ids": input_ids, "word_emb": word_emb, "pos_emb": pos_emb}

def reference(input_ids, word_emb, pos_emb):
    # All sequences in the batch are full-length (equal-length padding path).
    # max_length = L; position ids = [padding_idx+1, ..., L+padding_idx]
    Bq, Lq = input_ids.shape
    position_ids = jnp.broadcast_to(jnp.arange(PADDING_IDX + 1, Lq + PADDING_IDX + 1, dtype=input_ids.dtype), (Bq, Lq))
    position_embeddings = jnp.take(pos_emb, position_ids, axis=0)
    embeddings = jnp.take(word_emb, input_ids, axis=0)
    embeddings = embeddings + position_embeddings
    # VariationalNormalEpanechnikovDropout acts as identity in eval mode
    return embeddings

if __name__ == "__main__":
    import jax
    _d = setup_inputs()
    print(jax.jit(kernel)(*tuple(_d.values())))

</pallas_src>

<mosaic_0001>
#map = affine_map<(d0, d1) -> (0)>
#map1 = affine_map<(d0, d1) -> (0, 0)>
module attributes {stable_mosaic.version = 14 : i64} {
  func.func @_body(%arg0: i32, %arg1: i32, %arg2: memref<204800xi32, #tpu.memory_space<hbm>>, %arg3: memref<1000000x128xf32, #tpu.memory_space<hbm>>, %arg4: memref<12800xf32, #tpu.memory_space<hbm>>, %arg5: memref<204800x128xf32, #tpu.memory_space<hbm>>, %arg6: memref<6400xi32, #tpu.memory_space<vmem>>, %arg7: memref<12800xf32, #tpu.memory_space<vmem>>, %arg8: memref<200x128xf32, #tpu.memory_space<vmem>>, %arg9: memref<200x128xf32, #tpu.memory_space<vmem>>, %arg10: memref<200x128xf32, #tpu.memory_space<vmem>>, %arg11: memref<200x128xf32, #tpu.memory_space<vmem>>, %arg12: memref<!tpu.dma_semaphore, #tpu.memory_space<semaphore_mem>>, %arg13: memref<!tpu.dma_semaphore, #tpu.memory_space<semaphore_mem>>, %arg14: memref<!tpu.dma_semaphore, #tpu.memory_space<semaphore_mem>>, %arg15: memref<!tpu.dma_semaphore, #tpu.memory_space<semaphore_mem>>) attributes {dimension_semantics = [#tpu.dimension_semantics<core_parallel>, #tpu.dimension_semantics<subcore_parallel>], iteration_bounds = array<i64: 2, 16>, scalar_prefetch = 0 : i64, scratch_operands = 10 : i64, tpu.core_type = #tpu.core_type<sc_vector_subcore>, window_params = [{transform_indices = #map}, {transform_indices = #map1}, {transform_indices = #map}, {transform_indices = #map1}]} {
    %mul3A = arith.constant 2 : i32
    %mul3A_0 = arith.muli %arg1, %mul3A : i32
    %add3A = arith.addi %mul3A_0, %arg0 : i32
    %mul3A_1 = arith.constant 6400 : i32
    %mul3A_2 = arith.muli %add3A, %mul3A_1 : i32
    "tpu.region"() ({
      %run_scoped3A = tpu.sem_alloc : memref<!tpu.dma_semaphore, #tpu.memory_space<semaphore_mem>>
      %dma_start3A_34 = tpu.memref_slice %arg2[%mul3A_2] : memref<204800xi32, #tpu.memory_space<hbm>> -> memref<6400xi32, #tpu.memory_space<hbm>>
      %dma_start3A_35 = tpu.memref_slice %arg2[%mul3A_2] : memref<204800xi32, #tpu.memory_space<hbm>> -> memref<6400xi32, #tpu.memory_space<hbm>>
      tpu.enqueue_dma source(%dma_start3A_35 : memref<6400xi32, #tpu.memory_space<hbm>>) target(%arg6 : memref<6400xi32, #tpu.memory_space<vmem>>) target_semaphore(%run_scoped3A : memref<!tpu.dma_semaphore, #tpu.memory_space<semaphore_mem>>)
      %dma_wait3A_36 = tpu.memref_slice %arg2[%mul3A_2] : memref<204800xi32, #tpu.memory_space<hbm>> -> memref<6400xi32, #tpu.memory_space<hbm>>
      %dma_wait3A_37 = tpu.memref_slice %arg2[%mul3A_2] : memref<204800xi32, #tpu.memory_space<hbm>> -> memref<6400xi32, #tpu.memory_space<hbm>>
      tpu.wait_dma2 semaphore(%run_scoped3A : memref<!tpu.dma_semaphore, #tpu.memory_space<semaphore_mem>>) src(%dma_wait3A_37 : memref<6400xi32, #tpu.memory_space<hbm>>) dst(%arg6 : memref<6400xi32, #tpu.memory_space<vmem>>)
      tpu.yield
    }) : () -> ()
    "tpu.region"() ({
      %run_scoped3A = tpu.sem_alloc : memref<!tpu.dma_semaphore, #tpu.memory_space<semaphore_mem>>
      tpu.enqueue_dma source(%arg4 : memref<12800xf32, #tpu.memory_space<hbm>>) target(%arg7 : memref<12800xf32, #tpu.memory_space<vmem>>) target_semaphore(%run_scoped3A : memref<!tpu.dma_semaphore, #tpu.memory_space<semaphore_mem>>)
      tpu.wait_dma2 semaphore(%run_scoped3A : memref<!tpu.dma_semaphore, #tpu.memory_space<semaphore_mem>>) src(%arg4 : memref<12800xf32, #tpu.memory_space<hbm>>) dst(%arg7 : memref<12800xf32, #tpu.memory_space<vmem>>)
      tpu.yield
    }) : () -> ()
    %dma_start3A = arith.constant 0 : i32
    %dma_start3A_3 = arith.constant 0 : i32
    %dma_start3A_4 = tpu.memref_slice %arg8[%dma_start3A, %dma_start3A_3] : memref<200x128xf32, #tpu.memory_space<vmem>> -> memref<128x128xf32, #tpu.memory_space<vmem>>
    %dma_start3A_5 = arith.constant 0 : i32
    %dma_start3A_6 = tpu.memref_slice %arg6[%dma_start3A_5] : memref<6400xi32, #tpu.memory_space<vmem>> -> memref<128xi32, #tpu.memory_space<vmem>>
    %dma_start3A_7 = arith.constant 0 : i32
    %dma_start3A_8 = arith.constant 0 : i32
    %dma_start3A_9 = tpu.memref_slice %arg3[%dma_start3A_7, %dma_start3A_8] : memref<1000000x128xf32, #tpu.memory_space<hbm>> -> memref<1000000x128xf32, #tpu.memory_space<hbm>>
    tpu.enqueue_indirect_dma source(%dma_start3A_9 : memref<1000000x128xf32, #tpu.memory_space<hbm>>) target(%dma_start3A_4 : memref<128x128xf32, #tpu.memory_space<vmem>>) offsets(%dma_start3A_6 : memref<128xi32, #tpu.memory_space<vmem>>) semaphore(%arg12 : memref<!tpu.dma_semaphore, #tpu.memory_space<semaphore_mem>>)
    %dma_start3A_10 = arith.constant 128 : i32
    %dma_start3A_11 = arith.constant 0 : i32
    %dma_start3A_12 = tpu.memref_slice %arg8[%dma_start3A_10, %dma_start3A_11] : memref<200x128xf32, #tpu.memory_space<vmem>> -> memref<72x128xf32, #tpu.memory_space<vmem>>
    %dma_start3A_13 = arith.constant 128 : i32
    %dma_start3A_14 = tpu.memref_slice %arg6[%dma_start3A_13] : memref<6400xi32, #tpu.memory_space<vmem>> -> memref<72xi32, #tpu.memory_space<vmem>>
    %dma_start3A_15 = arith.constant 0 : i32
    %dma_start3A_16 = arith.constant 0 : i32
    %dma_start3A_17 = tpu.memref_slice %arg3[%dma_start3A_15, %dma_start3A_16] : memref<1000000x128xf32, #tpu.memory_space<hbm>> -> memref<1000000x128xf32, #tpu.memory_space<hbm>>
    tpu.enqueue_indirect_dma source(%dma_start3A_17 : memref<1000000x128xf32, #tpu.memory_space<hbm>>) target(%dma_start3A_12 : memref<72x128xf32, #tpu.memory_space<vmem>>) offsets(%dma_start3A_14 : memref<72xi32, #tpu.memory_space<vmem>>) semaphore(%arg12 : memref<!tpu.dma_semaphore, #tpu.memory_space<semaphore_mem>>)
    %scan3A = arith.constant 0 : i32
    %scan3A_18 = arith.constant 0 : i32
    %scan3A_19 = arith.constant 16 : i32
    %scan3A_20 = arith.addi %scan3A_18, %scan3A_19 : i32
    %scan3A_21 = arith.constant 1 : i32
    scf.for %scan3A_34 = %scan3A_18 to %scan3A_20 step %scan3A_21  : i32 {
      %mul3A_35 = arith.constant 2 : i32
      %mul3A_36 = arith.muli %scan3A_34, %mul3A_35 : i32
      %add3A_37 = arith.constant 0 : i32
      %add3A_38 = arith.addi %mul3A_36, %add3A_37 : i32
      %add3A_39 = arith.constant 2 : i32
      %add3A_40 = arith.addi %add3A_38, %add3A_39 : i32
      %sub3A = arith.constant 1 : i32
      %sub3A_41 = arith.subi %add3A_40, %sub3A : i32
      %lt3A = arith.constant 32 : i32
      %lt3A_42 = arith.cmpi slt, %sub3A_41, %lt3A : i32
      %convert_element_type3A = arith.extui %lt3A_42 : i1 to i32
      %cond3A = arith.constant 0 : i32
      %cond3A_43 = arith.cmpi ne, %convert_element_type3A, %cond3A : i32
      scf.if %cond3A_43 {
        %add3A_97 = arith.constant 2 : i32
        %add3A_98 = arith.addi %add3A_38, %add3A_97 : i32
        %sub3A_99 = arith.constant 1 : i32
        %sub3A_100 = arith.subi %add3A_98, %sub3A_99 : i32
        %mul3A_101 = arith.constant 200 : i32
        %mul3A_102 = arith.muli %sub3A_100, %mul3A_101 : i32
        %dma_start3A_103 = arith.constant 0 : i32
        %dma_start3A_104 = arith.constant 0 : i32
        %dma_start3A_105 = tpu.memref_slice %arg9[%dma_start3A_103, %dma_start3A_104] : memref<200x128xf32, #tpu.memory_space<vmem>> -> memref<128x128xf32, #tpu.memory_space<vmem>>
        %dma_start3A_106 = tpu.memref_slice %arg6[%mul3A_102] : memref<6400xi32, #tpu.memory_space<vmem>> -> memref<128xi32, #tpu.memory_space<vmem>>
        %dma_start3A_107 = arith.constant 0 : i32
        %dma_start3A_108 = arith.constant 0 : i32
        %dma_start3A_109 = tpu.memref_slice %arg3[%dma_start3A_107, %dma_start3A_108] : memref<1000000x128xf32, #tpu.memory_space<hbm>> -> memref<1000000x128xf32, #tpu.memory_space<hbm>>
        tpu.enqueue_indirect_dma source(%dma_start3A_109 : memref<1000000x128xf32, #tpu.memory_space<hbm>>) target(%dma_start3A_105 : memref<128x128xf32, #tpu.memory_space<vmem>>) offsets(%dma_start3A_106 : memref<128xi32, #tpu.memory_space<vmem>>) semaphore(%arg13 : memref<!tpu.dma_semaphore, #tpu.memory_space<semaphore_mem>>)
        %add3A_110 = arith.constant 128 : i32
        %add3A_111 = arith.addi %mul3A_102, %add3A_110 : i32
        %dma_start3A_112 = arith.constant 128 : i32
        %dma_start3A_113 = arith.constant 0 : i32
        %dma_start3A_114 = tpu.memref_slice %arg9[%dma_start3A_112, %dma_start3A_113] : memref<200x128xf32, #tpu.memory_space<vmem>> -> memref<72x128xf32, #tpu.memory_space<vmem>>
        %dma_start3A_115 = tpu.memref_slice %arg6[%add3A_111] : memref<6400xi32, #tpu.memory_space<vmem>> -> memref<72xi32, #tpu.memory_space<vmem>>
        %dma_start3A_116 = arith.constant 0 : i32
        %dma_start3A_117 = arith.constant 0 : i32
        %dma_start3A_118 = tpu.memref_slice %arg3[%dma_start3A_116, %dma_start3A_117] : memref<1000000x128xf32, #tpu.memory_space<hbm>> -> memref<1000000x128xf32, #tpu.memory_space<hbm>>
        tpu.enqueue_indirect_dma source(%dma_start3A_118 : memref<1000000x128xf32, #tpu.memory_space<hbm>>) target(%dma_start3A_114 : memref<72x128xf32, #tpu.memory_space<vmem>>) offsets(%dma_start3A_115 : memref<72xi32, #tpu.memory_space<vmem>>) semaphore(%arg13 : memref<!tpu.dma_semaphore, #tpu.memory_space<semaphore_mem>>)
      } else {
      }
      %dma_wait3A_44 = arith.constant 0 : i32
      %dma_wait3A_45 = arith.constant 0 : i32
      %dma_wait3A_46 = tpu.memref_slice %arg3[%dma_wait3A_44, %dma_wait3A_45] : memref<1000000x128xf32, #tpu.memory_space<hbm>> -> memref<200x128xf32, #tpu.memory_space<hbm>>
      %dma_wait3A_47 = arith.constant 0 : i32
      %dma_wait3A_48 = arith.constant 0 : i32
      %dma_wait3A_49 = tpu.memref_slice %arg3[%dma_wait3A_47, %dma_wait3A_48] : memref<1000000x128xf32, #tpu.memory_space<hbm>> -> memref<200x128xf32, #tpu.memory_space<hbm>>
      tpu.wait_dma2 semaphore(%arg12 : memref<!tpu.dma_semaphore, #tpu.memory_space<semaphore_mem>>) src(%dma_wait3A_49 : memref<200x128xf32, #tpu.memory_space<hbm>>) dst(%arg8 : memref<200x128xf32, #tpu.memory_space<vmem>>)
      %ge3A = arith.constant 2 : i32
      %ge3A_50 = arith.cmpi sge, %add3A_38, %ge3A : i32
      %convert_element_type3A_51 = arith.extui %ge3A_50 : i1 to i32
      %cond3A_52 = arith.constant 0 : i32
      %cond3A_53 = arith.cmpi ne, %convert_element_type3A_51, %cond3A_52 : i32
      scf.if %cond3A_53 {
        %dma_wait3A_97 = arith.constant 0 : i32
        %dma_wait3A_98 = arith.constant 0 : i32
        %dma_wait3A_99 = tpu.memref_slice %arg5[%dma_wait3A_97, %dma_wait3A_98] : memref<204800x128xf32, #tpu.memory_space<hbm>> -> memref<200x128xf32, #tpu.memory_space<hbm>>
        %dma_wait3A_100 = arith.constant 0 : i32
        %dma_wait3A_101 = arith.constant 0 : i32
        %dma_wait3A_102 = tpu.memref_slice %arg5[%dma_wait3A_100, %dma_wait3A_101] : memref<204800x128xf32, #tpu.memory_space<hbm>> -> memref<200x128xf32, #tpu.memory_space<hbm>>
        tpu.wait_dma2 semaphore(%arg14 : memref<!tpu.dma_semaphore, #tpu.memory_space<semaphore_mem>>) src(%arg10 : memref<200x128xf32, #tpu.memory_space<vmem>>) dst(%dma_wait3A_102 : memref<200x128xf32, #tpu.memory_space<hbm>>)
      } else {
      }
      %parallel_loop3A = arith.constant 0 : i32
      %parallel_loop3A_54 = arith.constant 200 : i32
      %parallel_loop3A_55 = arith.constant 1 : i32
      scf.for %parallel_loop3A_97 = %parallel_loop3A to %parallel_loop3A_54 step %parallel_loop3A_55  : i32 {
        %parallel_loop3A_98 = arith.index_cast %parallel_loop3A_97 : i32 to index
        %parallel_loop3A_99 = arith.constant 0 : index
        %parallel_loop3A_100 = tpu.vector_load %arg8[%parallel_loop3A_98, %parallel_loop3A_99] {strides = array<i32>} : memref<200x128xf32, #tpu.memory_space<vmem>>, vector<1x16xf32>,
        %parallel_loop3A_101 = vector.shape_cast %parallel_loop3A_100 : vector<1x16xf32> to vector<16xf32>
        %parallel_loop3A_102 = arith.constant 64 : i32
        %parallel_loop3A_103 = arith.muli %parallel_loop3A_97, %parallel_loop3A_102 : i32
        %parallel_loop3A_104 = arith.constant 0 : i32
        %parallel_loop3A_105 = arith.addi %parallel_loop3A_103, %parallel_loop3A_104 : i32
        %parallel_loop3A_106 = arith.index_cast %parallel_loop3A_105 : i32 to index
        %parallel_loop3A_107 = tpu.vector_load %arg7[%parallel_loop3A_106] {strides = array<i32>} : memref<12800xf32, #tpu.memory_space<vmem>>, vector<16xf32>,
        %parallel_loop3A_108 = vector.shape_cast %parallel_loop3A_107 : vector<16xf32> to vector<16xf32>
        %parallel_loop3A_109 = arith.addf %parallel_loop3A_101, %parallel_loop3A_108 : vector<16xf32>
        %parallel_loop3A_110 = arith.index_cast %parallel_loop3A_97 : i32 to index
        %parallel_loop3A_111 = arith.constant 0 : index
        %parallel_loop3A_112 = tpu.vector_load %arg10[%parallel_loop3A_110, %parallel_loop3A_111] {strides = array<i32>} : memref<200x128xf32, #tpu.memory_space<vmem>>, vector<1x16xf32>,
        %parallel_loop3A_113 = vector.shape_cast %parallel_loop3A_112 : vector<1x16xf32> to vector<16xf32>
        %parallel_loop3A_114 = vector.shape_cast %parallel_loop3A_109 : vector<16xf32> to vector<1x16xf32>
        tpu.vector_store %arg10[%parallel_loop3A_110, %parallel_loop3A_111], %parallel_loop3A_114 {strides = array<i32>} : memref<200x128xf32, #tpu.memory_space<vmem>>, vector<1x16xf32>,
        %parallel_loop3A_115 = arith.index_cast %parallel_loop3A_97 : i32 to index
        %parallel_loop3A_116 = arith.constant 16 : index
        %parallel_loop3A_117 = tpu.vector_load %arg8[%parallel_loop3A_115, %parallel_loop3A_116] {strides = array<i32>} : memref<200x128xf32, #tpu.memory_space<vmem>>, vector<1x16xf32>,
        %parallel_loop3A_118 = vector.shape_cast %parallel_loop3A_117 : vector<1x16xf32> to vector<16xf32>
        %parallel_loop3A_119 = arith.constant 64 : i32
        %parallel_loop3A_120 = arith.muli %parallel_loop3A_97, %parallel_loop3A_119 : i32
        %parallel_loop3A_121 = arith.constant 16 : i32
        %parallel_loop3A_122 = arith.addi %parallel_loop3A_120, %parallel_loop3A_121 : i32
        %parallel_loop3A_123 = arith.index_cast %parallel_loop3A_122 : i32 to index
        %parallel_loop3A_124 = tpu.vector_load %arg7[%parallel_loop3A_123] {strides = array<i32>} : memref<12800xf32, #tpu.memory_space<vmem>>, vector<16xf32>,
        %parallel_loop3A_125 = vector.shape_cast %parallel_loop3A_124 : vector<16xf32> to vector<16xf32>
        %parallel_loop3A_126 = arith.addf %parallel_loop3A_118, %parallel_loop3A_125 : vector<16xf32>
        %parallel_loop3A_127 = arith.index_cast %parallel_loop3A_97 : i32 to index
        %parallel_loop3A_128 = arith.constant 16 : index
        %parallel_loop3A_129 = tpu.vector_load %arg10[%parallel_loop3A_127, %parallel_loop3A_128] {strides = array<i32>} : memref<200x128xf32, #tpu.memory_space<vmem>>, vector<1x16xf32>,
        %parallel_loop3A_130 = vector.shape_cast %parallel_loop3A_129 : vector<1x16xf32> to vector<16xf32>
        %parallel_loop3A_131 = vector.shape_cast %parallel_loop3A_126 : vector<16xf32> to vector<1x16xf32>
        tpu.vector_store %arg10[%parallel_loop3A_127, %parallel_loop3A_128], %parallel_loop3A_131 {strides = array<i32>} : memref<200x128xf32, #tpu.memory_space<vmem>>, vector<1x16xf32>,
        %parallel_loop3A_132 = arith.index_cast %parallel_loop3A_97 : i32 to index
        %parallel_loop3A_133 = arith.constant 32 : index
        %parallel_loop3A_134 = tpu.vector_load %arg8[%parallel_loop3A_132, %parallel_loop3A_133] {strides = array<i32>} : memref<200x128xf32, #tpu.memory_space<vmem>>, vector<1x16xf32>,
        %parallel_loop3A_135 = vector.shape_cast %parallel_loop3A_134 : vector<1x16xf32> to vector<16xf32>
        %parallel_loop3A_136 = arith.constant 64 : i32
        %parallel_loop3A_137 = arith.muli %parallel_loop3A_97, %parallel_loop3A_136 : i32
        %parallel_loop3A_138 = arith.constant 32 : i32
        %parallel_loop3A_139 = arith.addi %parallel_loop3A_137, %parallel_loop3A_138 : i32
        %parallel_loop3A_140 = arith.index_cast %parallel_loop3A_139 : i32 to index
        %parallel_loop3A_141 = tpu.vector_load %arg7[%parallel_loop3A_140] {strides = array<i32>} : memref<12800xf32, #tpu.memory_space<vmem>>, vector<16xf32>,
        %parallel_loop3A_142 = vector.shape_cast %parallel_loop3A_141 : vector<16xf32> to vector<16xf32>
        %parallel_loop3A_143 = arith.addf %parallel_loop3A_135, %parallel_loop3A_142 : vector<16xf32>
        %parallel_loop3A_144 = arith.index_cast %parallel_loop3A_97 : i32 to index
        %parallel_loop3A_145 = arith.constant 32 : index
        %parallel_loop3A_146 = tpu.vector_load %arg10[%parallel_loop3A_144, %parallel_loop3A_145] {strides = array<i32>} : memref<200x128xf32, #tpu.memory_space<vmem>>, vector<1x16xf32>,
        %parallel_loop3A_147 = vector.shape_cast %parallel_loop3A_146 : vector<1x16xf32> to vector<16xf32>
        %parallel_loop3A_148 = vector.shape_cast %parallel_loop3A_143 : vector<16xf32> to vector<1x16xf32>
        tpu.vector_store %arg10[%parallel_loop3A_144, %parallel_loop3A_145], %parallel_loop3A_148 {strides = array<i32>} : memref<200x128xf32, #tpu.memory_space<vmem>>, vector<1x16xf32>,
        %parallel_loop3A_149 = arith.index_cast %parallel_loop3A_97 : i32 to index
        %parallel_loop3A_150 = arith.constant 48 : index
        %parallel_loop3A_151 = tpu.vector_load %arg8[%parallel_loop3A_149, %parallel_loop3A_150] {strides = array<i32>} : memref<200x128xf32, #tpu.memory_space<vmem>>, vector<1x16xf32>,
        %parallel_loop3A_152 = vector.shape_cast %parallel_loop3A_151 : vector<1x16xf32> to vector<16xf32>
        %parallel_loop3A_153 = arith.constant 64 : i32
        %parallel_loop3A_154 = arith.muli %parallel_loop3A_97, %parallel_loop3A_153 : i32
        %parallel_loop3A_155 = arith.constant 48 : i32
        %parallel_loop3A_156 = arith.addi %parallel_loop3A_154, %parallel_loop3A_155 : i32
        %parallel_loop3A_157 = arith.index_cast %parallel_loop3A_156 : i32 to index
        %parallel_loop3A_158 = tpu.vector_load %arg7[%parallel_loop3A_157] {strides = array<i32>} : memref<12800xf32, #tpu.memory_space<vmem>>, vector<16xf32>,
        %parallel_loop3A_159 = vector.shape_cast %parallel_loop3A_158 : vector<16xf32> to vector<16xf32>
        %parallel_loop3A_160 = arith.addf %parallel_loop3A_152, %parallel_loop3A_159 : vector<16xf32>
        %parallel_loop3A_161 = arith.index_cast %parallel_loop3A_97 : i32 to index
        %parallel_loop3A_162 = arith.constant 48 : index
        %parallel_loop3A_163 = tpu.vector_load %arg10[%parallel_loop3A_161, %parallel_loop3A_162] {strides = array<i32>} : memref<200x128xf32, #tpu.memory_space<vmem>>, vector<1x16xf32>,
        %parallel_loop3A_164 = vector.shape_cast %parallel_loop3A_163 : vector<1x16xf32> to vector<16xf32>
        %parallel_loop3A_165 = vector.shape_cast %parallel_loop3A_160 : vector<16xf32> to vector<1x16xf32>
        tpu.vector_store %arg10[%parallel_loop3A_161, %parallel_loop3A_162], %parallel_loop3A_165 {strides = array<i32>} : memref<200x128xf32, #tpu.memory_space<vmem>>, vector<1x16xf32>,
      } {sc.loop_unroll_factor = 8 : i64, sc.parallel_access}
      %mul3A_56 = arith.constant 200 : i32
      %mul3A_57 = arith.muli %add3A_38, %mul3A_56 : i32
      %add3A_58 = arith.addi %mul3A_2, %mul3A_57 : i32
      %dma_start3A_59 = arith.constant 0 : i32
      %dma_start3A_60 = tpu.memref_slice %arg5[%add3A_58, %dma_start3A_59] : memref<204800x128xf32, #tpu.memory_space<hbm>> -> memref<200x128xf32, #tpu.memory_space<hbm>>
      %dma_start3A_61 = arith.constant 0 : i32
      %dma_start3A_62 = tpu.memref_slice %arg5[%add3A_58, %dma_start3A_61] : memref<204800x128xf32, #tpu.memory_space<hbm>> -> memref<200x128xf32, #tpu.memory_space<hbm>>
      tpu.enqueue_dma source(%arg10 : memref<200x128xf32, #tpu.memory_space<vmem>>) target(%dma_start3A_62 : memref<200x128xf32, #tpu.memory_space<hbm>>) target_semaphore(%arg14 : memref<!tpu.dma_semaphore, #tpu.memory_space<semaphore_mem>>)
      %mul3A_63 = arith.constant 2 : i32
      %mul3A_64 = arith.muli %scan3A_34, %mul3A_63 : i32
      %add3A_65 = arith.constant 1 : i32
      %add3A_66 = arith.addi %mul3A_64, %add3A_65 : i32
      %add3A_67 = arith.constant 2 : i32
      %add3A_68 = arith.addi %add3A_66, %add3A_67 : i32
      %sub3A_69 = arith.constant 1 : i32
      %sub3A_70 = arith.subi %add3A_68, %sub3A_69 : i32
      %lt3A_71 = arith.constant 32 : i32
      %lt3A_72 = arith.cmpi slt, %sub3A_70, %lt3A_71 : i32
      %convert_element_type3A_73 = arith.extui %lt3A_72 : i1 to i32
      %cond3A_74 = arith.constant 0 : i32
      %cond3A_75 = arith.cmpi ne, %convert_element_type3A_73, %cond3A_74 : i32
      scf.if %cond3A_75 {
        %add3A_97 = arith.constant 2 : i32
        %add3A_98 = arith.addi %add3A_66, %add3A_97 : i32
        %sub3A_99 = arith.constant 1 : i32
        %sub3A_100 = arith.subi %add3A_98, %sub3A_99 : i32
        %mul3A_101 = arith.constant 200 : i32
        %mul3A_102 = arith.muli %sub3A_100, %mul3A_101 : i32
        %dma_start3A_103 = arith.constant 0 : i32
        %dma_start3A_104 = arith.constant 0 : i32
        %dma_start3A_105 = tpu.memref_slice %arg8[%dma_start3A_103, %dma_start3A_104] : memref<200x128xf32, #tpu.memory_space<vmem>> -> memref<128x128xf32, #tpu.memory_space<vmem>>
        %dma_start3A_106 = tpu.memref_slice %arg6[%mul3A_102] : memref<6400xi32, #tpu.memory_space<vmem>> -> memref<128xi32, #tpu.memory_space<vmem>>
        %dma_start3A_107 = arith.constant 0 : i32
        %dma_start3A_108 = arith.constant 0 : i32
        %dma_start3A_109 = tpu.memref_slice %arg3[%dma_start3A_107, %dma_start3A_108] : memref<1000000x128xf32, #tpu.memory_space<hbm>> -> memref<1000000x128xf32, #tpu.memory_space<hbm>>
        tpu.enqueue_indirect_dma source(%dma_start3A_109 : memref<1000000x128xf32, #tpu.memory_space<hbm>>) target(%dma_start3A_105 : memref<128x128xf32, #tpu.memory_space<vmem>>) offsets(%dma_start3A_106 : memref<128xi32, #tpu.memory_space<vmem>>) semaphore(%arg12 : memref<!tpu.dma_semaphore, #tpu.memory_space<semaphore_mem>>)
        %add3A_110 = arith.constant 128 : i32
        %add3A_111 = arith.addi %mul3A_102, %add3A_110 : i32
        %dma_start3A_112 = arith.constant 128 : i32
        %dma_start3A_113 = arith.constant 0 : i32
        %dma_start3A_114 = tpu.memref_slice %arg8[%dma_start3A_112, %dma_start3A_113] : memref<200x128xf32, #tpu.memory_space<vmem>> -> memref<72x128xf32, #tpu.memory_space<vmem>>
        %dma_start3A_115 = tpu.memref_slice %arg6[%add3A_111] : memref<6400xi32, #tpu.memory_space<vmem>> -> memref<72xi32, #tpu.memory_space<vmem>>
        %dma_start3A_116 = arith.constant 0 : i32
        %dma_start3A_117 = arith.constant 0 : i32
        %dma_start3A_118 = tpu.memref_slice %arg3[%dma_start3A_116, %dma_start3A_117] : memref<1000000x128xf32, #tpu.memory_space<hbm>> -> memref<1000000x128xf32, #tpu.memory_space<hbm>>
        tpu.enqueue_indirect_dma source(%dma_start3A_118 : memref<1000000x128xf32, #tpu.memory_space<hbm>>) target(%dma_start3A_114 : memref<72x128xf32, #tpu.memory_space<vmem>>) offsets(%dma_start3A_115 : memref<72xi32, #tpu.memory_space<vmem>>) semaphore(%arg12 : memref<!tpu.dma_semaphore, #tpu.memory_space<semaphore_mem>>)
      } else {
      }
      %dma_wait3A_76 = arith.constant 0 : i32
      %dma_wait3A_77 = arith.constant 0 : i32
      %dma_wait3A_78 = tpu.memref_slice %arg3[%dma_wait3A_76, %dma_wait3A_77] : memref<1000000x128xf32, #tpu.memory_space<hbm>> -> memref<200x128xf32, #tpu.memory_space<hbm>>
      %dma_wait3A_79 = arith.constant 0 : i32
      %dma_wait3A_80 = arith.constant 0 : i32
      %dma_wait3A_81 = tpu.memref_slice %arg3[%dma_wait3A_79, %dma_wait3A_80] : memref<1000000x128xf32, #tpu.memory_space<hbm>> -> memref<200x128xf32, #tpu.memory_space<hbm>>
      tpu.wait_dma2 semaphore(%arg13 : memref<!tpu.dma_semaphore, #tpu.memory_space<semaphore_mem>>) src(%dma_wait3A_81 : memref<200x128xf32, #tpu.memory_space<hbm>>) dst(%arg9 : memref<200x128xf32, #tpu.memory_space<vmem>>)
      %ge3A_82 = arith.constant 2 : i32
      %ge3A_83 = arith.cmpi sge, %add3A_66, %ge3A_82 : i32
      %convert_element_type3A_84 = arith.extui %ge3A_83 : i1 to i32
      %cond3A_85 = arith.constant 0 : i32
      %cond3A_86 = arith.cmpi ne, %convert_element_type3A_84, %cond3A_85 : i32
      scf.if %cond3A_86 {
        %dma_wait3A_97 = arith.constant 0 : i32
        %dma_wait3A_98 = arith.constant 0 : i32
        %dma_wait3A_99 = tpu.memref_slice %arg5[%dma_wait3A_97, %dma_wait3A_98] : memref<204800x128xf32, #tpu.memory_space<hbm>> -> memref<200x128xf32, #tpu.memory_space<hbm>>
        %dma_wait3A_100 = arith.constant 0 : i32
        %dma_wait3A_101 = arith.constant 0 : i32
        %dma_wait3A_102 = tpu.memref_slice %arg5[%dma_wait3A_100, %dma_wait3A_101] : memref<204800x128xf32, #tpu.memory_space<hbm>> -> memref<200x128xf32, #tpu.memory_space<hbm>>
        tpu.wait_dma2 semaphore(%arg15 : memref<!tpu.dma_semaphore, #tpu.memory_space<semaphore_mem>>) src(%arg11 : memref<200x128xf32, #tpu.memory_space<vmem>>) dst(%dma_wait3A_102 : memref<200x128xf32, #tpu.memory_space<hbm>>)
      } else {
      }
      %parallel_loop3A_87 = arith.constant 0 : i32
      %parallel_loop3A_88 = arith.constant 200 : i32
      %parallel_loop3A_89 = arith.constant 1 : i32
      scf.for %parallel_loop3A_97 = %parallel_loop3A_87 to %parallel_loop3A_88 step %parallel_loop3A_89  : i32 {
        %parallel_loop3A_98 = arith.index_cast %parallel_loop3A_97 : i32 to index
        %parallel_loop3A_99 = arith.constant 0 : index
        %parallel_loop3A_100 = tpu.vector_load %arg9[%parallel_loop3A_98, %parallel_loop3A_99] {strides = array<i32>} : memref<200x128xf32, #tpu.memory_space<vmem>>, vector<1x16xf32>,
        %parallel_loop3A_101 = vector.shape_cast %parallel_loop3A_100 : vector<1x16xf32> to vector<16xf32>
        %parallel_loop3A_102 = arith.constant 64 : i32
        %parallel_loop3A_103 = arith.muli %parallel_loop3A_97, %parallel_loop3A_102 : i32
        %parallel_loop3A_104 = arith.constant 0 : i32
        %parallel_loop3A_105 = arith.addi %parallel_loop3A_103, %parallel_loop3A_104 : i32
        %parallel_loop3A_106 = arith.index_cast %parallel_loop3A_105 : i32 to index
        %parallel_loop3A_107 = tpu.vector_load %arg7[%parallel_loop3A_106] {strides = array<i32>} : memref<12800xf32, #tpu.memory_space<vmem>>, vector<16xf32>,
        %parallel_loop3A_108 = vector.shape_cast %parallel_loop3A_107 : vector<16xf32> to vector<16xf32>
        %parallel_loop3A_109 = arith.addf %parallel_loop3A_101, %parallel_loop3A_108 : vector<16xf32>
        %parallel_loop3A_110 = arith.index_cast %parallel_loop3A_97 : i32 to index
        %parallel_loop3A_111 = arith.constant 0 : index
        %parallel_loop3A_112 = tpu.vector_load %arg11[%parallel_loop3A_110, %parallel_loop3A_111] {strides = array<i32>} : memref<200x128xf32, #tpu.memory_space<vmem>>, vector<1x16xf32>,
        %parallel_loop3A_113 = vector.shape_cast %parallel_loop3A_112 : vector<1x16xf32> to vector<16xf32>
        %parallel_loop3A_114 = vector.shape_cast %parallel_loop3A_109 : vector<16xf32> to vector<1x16xf32>
        tpu.vector_store %arg11[%parallel_loop3A_110, %parallel_loop3A_111], %parallel_loop3A_114 {strides = array<i32>} : memref<200x128xf32, #tpu.memory_space<vmem>>, vector<1x16xf32>,
        %parallel_loop3A_115 = arith.index_cast %parallel_loop3A_97 : i32 to index
        %parallel_loop3A_116 = arith.constant 16 : index
        %parallel_loop3A_117 = tpu.vector_load %arg9[%parallel_loop3A_115, %parallel_loop3A_116] {strides = array<i32>} : memref<200x128xf32, #tpu.memory_space<vmem>>, vector<1x16xf32>,
        %parallel_loop3A_118 = vector.shape_cast %parallel_loop3A_117 : vector<1x16xf32> to vector<16xf32>
        %parallel_loop3A_119 = arith.constant 64 : i32
        %parallel_loop3A_120 = arith.muli %parallel_loop3A_97, %parallel_loop3A_119 : i32
        %parallel_loop3A_121 = arith.constant 16 : i32
        %parallel_loop3A_122 = arith.addi %parallel_loop3A_120, %parallel_loop3A_121 : i32
        %parallel_loop3A_123 = arith.index_cast %parallel_loop3A_122 : i32 to index
        %parallel_loop3A_124 = tpu.vector_load %arg7[%parallel_loop3A_123] {strides = array<i32>} : memref<12800xf32, #tpu.memory_space<vmem>>, vector<16xf32>,
        %parallel_loop3A_125 = vector.shape_cast %parallel_loop3A_124 : vector<16xf32> to vector<16xf32>
        %parallel_loop3A_126 = arith.addf %parallel_loop3A_118, %parallel_loop3A_125 : vector<16xf32>
        %parallel_loop3A_127 = arith.index_cast %parallel_loop3A_97 : i32 to index
        %parallel_loop3A_128 = arith.constant 16 : index
        %parallel_loop3A_129 = tpu.vector_load %arg11[%parallel_loop3A_127, %parallel_loop3A_128] {strides = array<i32>} : memref<200x128xf32, #tpu.memory_space<vmem>>, vector<1x16xf32>,
        %parallel_loop3A_130 = vector.shape_cast %parallel_loop3A_129 : vector<1x16xf32> to vector<16xf32>
        %parallel_loop3A_131 = vector.shape_cast %parallel_loop3A_126 : vector<16xf32> to vector<1x16xf32>
        tpu.vector_store %arg11[%parallel_loop3A_127, %parallel_loop3A_128], %parallel_loop3A_131 {strides = array<i32>} : memref<200x128xf32, #tpu.memory_space<vmem>>, vector<1x16xf32>,
        %parallel_loop3A_132 = arith.index_cast %parallel_loop3A_97 : i32 to index
        %parallel_loop3A_133 = arith.constant 32 : index
        %parallel_loop3A_134 = tpu.vector_load %arg9[%parallel_loop3A_132, %parallel_loop3A_133] {strides = array<i32>} : memref<200x128xf32, #tpu.memory_space<vmem>>, vector<1x16xf32>,
        %parallel_loop3A_135 = vector.shape_cast %parallel_loop3A_134 : vector<1x16xf32> to vector<16xf32>
        %parallel_loop3A_136 = arith.constant 64 : i32
        %parallel_loop3A_137 = arith.muli %parallel_loop3A_97, %parallel_loop3A_136 : i32
        %parallel_loop3A_138 = arith.constant 32 : i32
        %parallel_loop3A_139 = arith.addi %parallel_loop3A_137, %parallel_loop3A_138 : i32
        %parallel_loop3A_140 = arith.index_cast %parallel_loop3A_139 : i32 to index
        %parallel_loop3A_141 = tpu.vector_load %arg7[%parallel_loop3A_140] {strides = array<i32>} : memref<12800xf32, #tpu.memory_space<vmem>>, vector<16xf32>,
        %parallel_loop3A_142 = vector.shape_cast %parallel_loop3A_141 : vector<16xf32> to vector<16xf32>
        %parallel_loop3A_143 = arith.addf %parallel_loop3A_135, %parallel_loop3A_142 : vector<16xf32>
        %parallel_loop3A_144 = arith.index_cast %parallel_loop3A_97 : i32 to index
        %parallel_loop3A_145 = arith.constant 32 : index
        %parallel_loop3A_146 = tpu.vector_load %arg11[%parallel_loop3A_144, %parallel_loop3A_145] {strides = array<i32>} : memref<200x128xf32, #tpu.memory_space<vmem>>, vector<1x16xf32>,
        %parallel_loop3A_147 = vector.shape_cast %parallel_loop3A_146 : vector<1x16xf32> to vector<16xf32>
        %parallel_loop3A_148 = vector.shape_cast %parallel_loop3A_143 : vector<16xf32> to vector<1x16xf32>
        tpu.vector_store %arg11[%parallel_loop3A_144, %parallel_loop3A_145], %parallel_loop3A_148 {strides = array<i32>} : memref<200x128xf32, #tpu.memory_space<vmem>>, vector<1x16xf32>,
        %parallel_loop3A_149 = arith.index_cast %parallel_loop3A_97 : i32 to index
        %parallel_loop3A_150 = arith.constant 48 : index
        %parallel_loop3A_151 = tpu.vector_load %arg9[%parallel_loop3A_149, %parallel_loop3A_150] {strides = array<i32>} : memref<200x128xf32, #tpu.memory_space<vmem>>, vector<1x16xf32>,
        %parallel_loop3A_152 = vector.shape_cast %parallel_loop3A_151 : vector<1x16xf32> to vector<16xf32>
        %parallel_loop3A_153 = arith.constant 64 : i32
        %parallel_loop3A_154 = arith.muli %parallel_loop3A_97, %parallel_loop3A_153 : i32
        %parallel_loop3A_155 = arith.constant 48 : i32
        %parallel_loop3A_156 = arith.addi %parallel_loop3A_154, %parallel_loop3A_155 : i32
        %parallel_loop3A_157 = arith.index_cast %parallel_loop3A_156 : i32 to index
        %parallel_loop3A_158 = tpu.vector_load %arg7[%parallel_loop3A_157] {strides = array<i32>} : memref<12800xf32, #tpu.memory_space<vmem>>, vector<16xf32>,
        %parallel_loop3A_159 = vector.shape_cast %parallel_loop3A_158 : vector<16xf32> to vector<16xf32>
        %parallel_loop3A_160 = arith.addf %parallel_loop3A_152, %parallel_loop3A_159 : vector<16xf32>
        %parallel_loop3A_161 = arith.index_cast %parallel_loop3A_97 : i32 to index
        %parallel_loop3A_162 = arith.constant 48 : index
        %parallel_loop3A_163 = tpu.vector_load %arg11[%parallel_loop3A_161, %parallel_loop3A_162] {strides = array<i32>} : memref<200x128xf32, #tpu.memory_space<vmem>>, vector<1x16xf32>,
        %parallel_loop3A_164 = vector.shape_cast %parallel_loop3A_163 : vector<1x16xf32> to vector<16xf32>
        %parallel_loop3A_165 = vector.shape_cast %parallel_loop3A_160 : vector<16xf32> to vector<1x16xf32>
        tpu.vector_store %arg11[%parallel_loop3A_161, %parallel_loop3A_162], %parallel_loop3A_165 {strides = array<i32>} : memref<200x128xf32, #tpu.memory_space<vmem>>, vector<1x16xf32>,
      } {sc.loop_unroll_factor = 8 : i64, sc.parallel_access}
      %mul3A_90 = arith.constant 200 : i32
      %mul3A_91 = arith.muli %add3A_66, %mul3A_90 : i32
      %add3A_92 = arith.addi %mul3A_2, %mul3A_91 : i32
      %dma_start3A_93 = arith.constant 0 : i32
      %dma_start3A_94 = tpu.memref_slice %arg5[%add3A_92, %dma_start3A_93] : memref<204800x128xf32, #tpu.memory_space<hbm>> -> memref<200x128xf32, #tpu.memory_space<hbm>>
      %dma_start3A_95 = arith.constant 0 : i32
      %dma_start3A_96 = tpu.memref_slice %arg5[%add3A_92, %dma_start3A_95] : memref<204800x128xf32, #tpu.memory_space<hbm>> -> memref<200x128xf32, #tpu.memory_space<hbm>>
      tpu.enqueue_dma source(%arg11 : memref<200x128xf32, #tpu.memory_space<vmem>>) target(%dma_start3A_96 : memref<200x128xf32, #tpu.memory_space<hbm>>) target_semaphore(%arg15 : memref<!tpu.dma_semaphore, #tpu.memory_space<semaphore_mem>>)
    }
    %scan3A_22 = arith.constant 16 : i32
    %dma_wait3A = arith.constant 0 : i32
    %dma_wait3A_23 = arith.constant 0 : i32
    %dma_wait3A_24 = tpu.memref_slice %arg5[%dma_wait3A, %dma_wait3A_23] : memref<204800x128xf32, #tpu.memory_space<hbm>> -> memref<200x128xf32, #tpu.memory_space<hbm>>
    %dma_wait3A_25 = arith.constant 0 : i32
    %dma_wait3A_26 = arith.constant 0 : i32
    %dma_wait3A_27 = tpu.memref_slice %arg5[%dma_wait3A_25, %dma_wait3A_26] : memref<204800x128xf32, #tpu.memory_space<hbm>> -> memref<200x128xf32, #tpu.memory_space<hbm>>
    tpu.wait_dma2 semaphore(%arg14 : memref<!tpu.dma_semaphore, #tpu.memory_space<semaphore_mem>>) src(%arg10 : memref<200x128xf32, #tpu.memory_space<vmem>>) dst(%dma_wait3A_27 : memref<200x128xf32, #tpu.memory_space<hbm>>)
    %dma_wait3A_28 = arith.constant 0 : i32
    %dma_wait3A_29 = arith.constant 0 : i32
    %dma_wait3A_30 = tpu.memref_slice %arg5[%dma_wait3A_28, %dma_wait3A_29] : memref<204800x128xf32, #tpu.memory_space<hbm>> -> memref<200x128xf32, #tpu.memory_space<hbm>>
    %dma_wait3A_31 = arith.constant 0 : i32
    %dma_wait3A_32 = arith.constant 0 : i32
    %dma_wait3A_33 = tpu.memref_slice %arg5[%dma_wait3A_31, %dma_wait3A_32] : memref<204800x128xf32, #tpu.memory_space<hbm>> -> memref<200x128xf32, #tpu.memory_space<hbm>>
    tpu.wait_dma2 semaphore(%arg15 : memref<!tpu.dma_semaphore, #tpu.memory_space<semaphore_mem>>) src(%arg11 : memref<200x128xf32, #tpu.memory_space<vmem>>) dst(%dma_wait3A_33 : memref<200x128xf32, #tpu.memory_space<hbm>>)
    return
  }
}

</mosaic_0001>

<sc_bundles>
// kernel: kernel.3.cloned.1.call-start
scs
__scs_entry_jumppad:
0x0: {  	(pc) =	sbr.rel $0x88, $3  }
0x1: {  	(tag) =	ssettag $0x0;
	lr =	simm.s32 $0x1  }
0x2: {  	[smem:$0x3F9E] =	sst lr;
	_ =	strace $0xD0000000  }
0x3: {  	_ = 	snop  }
0x4: {  	_ = 	snop  }
0x5: {  	_ = 	snop  }
0x6: {  	_ = 	snop  }
0x7: {  	_ = 	snop  }
__scs_overlays_trampoline_lowered:
0x8: {  	[smem:$0x3FAD] =	sst s0  }
0x9: {  	[smem:$0x3FAE] =	sst s1  }
0xa: {  	[smem:$0x3FAF] =	sst s2  }
0xb: {  	[smem:$0x3FB0] =	sst s3  }
0xc: {  	[smem:$0x3FB1] =	sst s4  }
0xd: {  	[smem:$0x3FB2] =	sst s5  }
0xe: {  	[smem:$0x3FB3] =	sst s6  }
0xf: {  	[smem:$0x3FB4] =	sst s7  }
0x10: {  	[smem:$0x3FB5] =	sst s8  }
0x11: {  	[smem:$0x3FB6] =	sst s9;
	s0 =	simm.s32 @!p0 $0x0  }
0x12: {  	s1 =	sld [smem:$0x3F9C];
	s0 =	simm.s32 @p0 $0x1  }
0x13: {  	[smem:$0x3FB7] =	sst s0;
	s0 =	simm.s32 @!p1 $0x0  }
0x14: {  	s2 =	sld [smem:$0x3F9B];
	s0 =	simm.s32 @p1 $0x1  }
0x15: {  	[smem:$0x3FB8] =	sst s0;
	s0 =	simm.s32 @!p2 $0x0  }
0x16: {  	s3 =	sld [smem:$0x3FDB];
	s0 =	simm.s32 @p2 $0x1  }
0x17: {  	s4 =	simm.s32 $0x1BF5;
	[smem:$0x3FBA] =	sst s0  }
0x18: {  	s0 =	sld [smem:$0x3F9D];
	_ =	swait.ge [sflag:s4], $0x0  }
0x19: {  	s7 =	sld [smem:$0x3F9E]  }
0x1a: {  	s8 =	sadd.s32 $0xFFFFE003, lr  }
0x1b: {  	s9 =	sadd.s32 $0xFFFFFEF7, lr;
	s5 =	simm.s32 $0xFFFFFFFF;
	p2 =	slt.u32 s8, $0xFFFFF086  }
0x1c: {  	p1 =	slt.u32 s9, $0xF7A;
	s5 =	simm.s32 @!p2 $0x0  }
0x1d: {  	s5 =	simm.s32 @p1 $0x1;
	p0 =	seq.s32 s7, s2  }
0x1e: {  	s7 =	smul.u32 @!p0 $0xF7A, s2;
	p2 =	seq.s32 @!p0 s5, $0x0  }
0x1f: {  	s9 =	smul.u32 $0xF7A, s1;
	s8 =	simm.s32 @!p0 $0x1BF5;
	p2 =	por !p2, p0  }
0x20: {  	[sflag:s8] =	ssyncset.s32 @!p0 $0xFFFFF086;
	s6 =	sadd.s32 @!p0 s3, s7;
	s7 =	simm.s32 @!p0 $0x108  }
0x21: {  	s3 =	sadd.s32 s3, s9;
	s6 =	sadd.s32 @!p0 $0x88, s6;
	s7 =	simm.s32 @p2 $0x1082  }
0x22: {  	[simem:s7], [sflag:s8] =	dma.local @!p0 [hbm:s6], $0xF7A  }
0x23: {  	s9 =	sor.u32 $0xD0000000, s2;
	s6 =	simm.s32 $0x108;
	_ =	swait.ge @!p0 [sflag:s8], $0x0  }
0x24: {  	s3 =	sadd.s32 $0x88, s3;
	s6 =	simm.s32 @!p1 $0x1082;
	[sflag:s4] =	ssyncset.s32 $0xFFFFF086  }
0x25: {  	[simem:s6], [sflag:s4] =	dma.local [hbm:s3], $0xF7A  }
0x26: {  	[smem:$0x3F9E] =	sst s1;
	(tag) =	ssettag s2;
	_ =	strace s9  }
0x27: {  	s1 =	sld [smem:$0x3FAE]  }
0x28: {  	s2 =	sld [smem:$0x3FAF]  }
0x29: {  	s4 =	sld [smem:$0x3FB1]  }
0x2a: {  	p0 =	seq.s32 s5, $0x0;
	s5 =	sld [smem:$0x3FB2]  }
0x2b: {  	s6 =	sld [smem:$0x3FB3]  }
0x2c: {  	s7 =	sld [smem:$0x3FB4]  }
0x2d: {  	s3 =	simm.s32 $0x108;
	s8 =	sld [smem:$0x3FB5]  }
0x2e: {  	s3 =	simm.s32 @!p0 $0x1082;
	s9 =	sld [smem:$0x3FB6]  }
0x2f: {  	lr =	sadd.s32 s0, s3;
	s0 =	sld [smem:$0x3FAD]  }
0x30: {  	s3 =	sld [smem:$0x3FB0]  }
0x31: {  	[smem:$0x3FB9] =	sst s10  }
0x32: {  	s10 =	sld [smem:$0x3FB7];
	_ =	sdelay $0x3  }
0x33: {  	p0 =	seq.s32 s10, $0x1;
	s10 =	sld [smem:$0x3FB9];
	_ =	sdelay $0x3  }
0x34: {  	[smem:$0x3FB9] =	sst s10  }
0x35: {  	s10 =	sld [smem:$0x3FB8];
	_ =	sdelay $0x3  }
0x36: {  	p1 =	seq.s32 s10, $0x1;
	s10 =	sld [smem:$0x3FB9];
	_ =	sdelay $0x3  }
0x37: {  	[smem:$0x3FB9] =	sst s10  }
0x38: {  	s10 =	sld [smem:$0x3FBA]  }
0x39: {  	_ = 	snop;
	(pc) =	sbr.ind lr, $3  }
0x3a: {  	_ = 	snop  }
0x3b: {  	_ = 	snop  }
0x3c: {  	p2 =	seq.s32 s10, $0x1;
	s10 =	sld [smem:$0x3FB9]  }
0x3d: {  	_ =	shalt  }
0x3e: {  	_ =	shalt  }
0x3f: {  	_ =	shalt  }
0x40: {  	_ =	shalt  }
0x41: {  	_ =	shalt  }
0x42: {  	_ =	shalt  }
0x43: {  	_ =	shalt  }
0x44: {  	_ =	shalt  }
0x45: {  	_ =	shalt  }
0x46: {  	_ =	shalt  }
0x47: {  	_ =	shalt  }
0x48: {  	_ =	shalt  }
0x49: {  	_ =	shalt  }
0x4a: {  	_ =	shalt  }
0x4b: {  	_ =	shalt  }
0x4c: {  	_ =	shalt  }
0x4d: {  	_ =	shalt  }
0x4e: {  	_ =	shalt  }
0x4f: {  	_ =	shalt  }
0x50: {  	_ =	shalt  }
0x51: {  	_ =	shalt  }
0x52: {  	_ =	shalt  }
0x53: {  	_ =	shalt  }
0x54: {  	_ =	shalt  }
0x55: {  	_ =	shalt  }
0x56: {  	_ =	shalt  }
0x57: {  	_ =	shalt  }
0x58: {  	_ =	shalt  }
0x59: {  	_ =	shalt  }
0x5a: {  	_ =	shalt  }
0x5b: {  	_ =	shalt  }
0x5c: {  	_ =	shalt  }
0x5d: {  	_ =	shalt  }
0x5e: {  	_ =	shalt  }
0x5f: {  	_ =	shalt  }
0x60: {  	_ =	shalt  }
0x61: {  	_ =	shalt  }
0x62: {  	_ =	shalt  }
0x63: {  	_ =	shalt  }
0x64: {  	_ =	shalt  }
0x65: {  	_ =	shalt  }
0x66: {  	_ =	shalt  }
0x67: {  	_ =	shalt  }
0x68: {  	_ =	shalt  }
0x69: {  	_ =	shalt  }
0x6a: {  	_ =	shalt  }
0x6b: {  	_ =	shalt  }
0x6c: {  	_ =	shalt  }
0x6d: {  	_ =	shalt  }
0x6e: {  	_ =	shalt  }
0x6f: {  	_ =	shalt  }
0x70: {  	_ =	shalt  }
0x71: {  	_ =	shalt  }
0x72: {  	_ =	shalt  }
0x73: {  	_ =	shalt  }
0x74: {  	_ =	shalt  }
0x75: {  	_ =	shalt  }
0x76: {  	_ =	shalt  }
0x77: {  	_ =	shalt  }
0x78: {  	_ =	shalt  }
0x79: {  	_ =	shalt  }
0x7a: {  	_ =	shalt  }
0x7b: {  	_ =	shalt  }
0x7c: {  	_ =	shalt  }
0x7d: {  	_ =	shalt  }
0x7e: {  	_ =	shalt  }
0x7f: {  	_ =	shalt  }
0x80: {  	_ =	shalt  }
0x81: {  	_ =	shalt  }
0x82: {  	_ =	shalt  }
0x83: {  	_ =	shalt  }
0x84: {  	_ =	shalt  }
0x85: {  	_ =	shalt  }
0x86: {  	_ =	shalt  }
0x87: {  	_ =	shalt  }
.Lfunc_end0:
.L_simem_size_0:
called_computation.1_lowered:
.L_overlay_start_0:
0x88: {  	s2 =	sld [smem:$0x3FD9]  }
0x89: {  	s3 =	sld [smem:$0x3FFE];
	_ =	sdelay $0x1  }
0x8a: {  	s1 =	srdreg.scid  }
0x8b: {  	s0 =	sand.u32 $0x1, s1  }
0x8c: {  	s17 =	sshll.u32 s0, $0xA;
	s2 =	sadd.s32 s3, s2  }
0x8d: {  	s2 =	sadd.s32 s2, s17  }
0x8e: {  	[smem:$0x3FC5] =	sst s2  }
0x8f: {  	_ = 	snop  }
0x90: {  	s2 =	sld [smem:$0x3FD0];
	(tm) =	ssettm $0x1  }
0x91: {  	s18 =	sld [smem:$0x3FFB];
	_ =	sdelay $0x3  }
0x92: {  	_ =	strace s18  }
0x93: {  	s3 =	sld [smem:$0x3FFC];
	_ =	sdelay $0x3  }
0x94: {  	_ =	strace s3  }
0x95: {  	s3 =	sld [smem:$0x3FFD];
	_ =	sdelay $0x3  }
0x96: {  	_ =	strace s3  }
0x97: {  	_ =	strace $0x8FFFFFFF  }
0x98: {  	s19 =	sld [smem:$0x3FDB];
	_ =	sdelay $0x1  }
0x99: {  	s4 =	simm.s32 $_scs_section_size  }
0x9a: {  	s5 =	simm.s32 $_size__tile_overlayer_lowered;
	s6 =	simm.s32 $_tile_overlayer_lowered  }
0x9b: {  	s22 =	simm.s32 $0x1BFF;
	s21 =	sshll.u32 s6, $0x1;
	s3 =	sadd.s32 s4, s19  }
0x9c: {  	s7 =	simm.s32 $0x0;
	s20 =	sshll.u32 s5, $0x1;
	s5 =	sadd.s32 s21, s3  }
0x9d: {  	[timem:s7], [sflag:s22] =	dma.local [hbm:s5], s20  }
0x9e: {  	_ =	swait.ge [sflag:s22], s20  }
0x9f: {  	s4 =	ssub.s32 $0x0, s20;
	[sflag:s22] =	ssyncset.done $0x0  }
0xa0: {  	[sflag:s22] =	ssyncadd.s32 s4;
	_ =	sdelay $0x1  }
0xa1: {  	s23 =	simm.s32 $0x1B8B  }
0xa2: {  	_ =	swait.ge [sflag:s23], $0x1  }
0xa3: {  	[sflag:s23] =	ssyncset.done $0x0  }
0xa4: {  	s25 =	simm.s32 $0x1B8E;
	s24 =	sld [smem:$0x3FFE];
	[sflag:s23] =	ssyncadd.s32 $0xFFFFFFFF  }
0xa5: {  	s26 =	simm.s32 $execute0_lowered;
	[smem:$0x3FD2] =	sst s25  }
0xa6: {  	s5 =	sshll.u32 s26, $0x1;
	_ =	strace $0x80000046;
	[dreg:$0x1] =	wrdreg $0xFFFFFFFF  }
0xa7: {  	s28 =	simm.s32 $_size_execute0_lowered;
	s3 =	sadd.s32 s3, s5;
	[dreg:$0x0] =	wrdreg $0x0  }
0xa8: {  	s5 =	sshll.u32 s28, $0x1;
	[dreg:$0x2] =	wrdreg s3  }
0xa9: {  	[dreg:$0x3] =	wrdreg s5  }
0xaa: {  	[dreg:$0x4] =	wrdreg $0xC0  }
0xab: {  	_ =	task [dreg:s7], $0x5FFFF  }
0xac: {  	[dreg:$0x1] =	wrdreg $0xFFFFFFFF  }
0xad: {  	[dreg:$0x0] =	wrdreg $0x60  }
0xae: {  	[dreg:$0x2] =	wrdreg s2  }
0xaf: {  	[dreg:$0x3] =	wrdreg s24  }
0xb0: {  	[dreg:$0x4] =	wrdreg $0x9  }
0xb1: {  	_ =	task.clear_ibuf [dreg:s7], $0x5FFFF;
	_ =	strace $0x90000046  }
0xb2: {  	s29 =	simm.s32 $0x9;
	_ =	strace $0x80000048  }
0xb3: {  	_ =	swait.ge [sflag:s29], $0x1  }
0xb4: {  	[sflag:s29] =	ssyncadd.s32 $0xFFFFFFFF  }
0xb5: {  	_ =	strace $0x90000048  }
0xb6: {  	_ =	sfence  }
0xb7: {  	s30 =	sld [smem:$0x0];
	_ =	sdelay $0x2  }
0xb8: {  	s31 =	sshll.u32 s1, $0xD;
	s1 =	sshrl.u32 s1, $0x2  }
0xb9: {  	s3 =	sand.u32 $0x4000, s31;
	s1 =	sadd.s32 s1, s30  }
0xba: {  	s0 =	sor.u32 s3, s0;
	s1 =	sshll.u32 s1, $0x11  }
0xbb: {  	s0 =	sor.u32 s1, s0  }
0xbc: {  	s0 =	sadd.s32 $0x8F2B, s0  }
0xbd: {  	[sflag:s0] =	ssyncadd.remote.s32 $0x1  }
0xbe: {  	_ =	sfence.sel $0xFFFF  }
0xbf: {  	[dreg:$0x0] =	wrdreg $0xFFFFFFFF;
	(pc) =	sbr.abs _section_cstart, $3  }
0xc0: {  	[dreg:$0x1] =	wrdreg $0xFFFFFFFF  }
0xc1: {  	_ =	task.clear_ibuf [dreg:s7], $0x2FFFF;
	_ =	strace $0x9FFFFFFF  }
0xc2: {  	(tm) =	ssettm $0x7FFFFFFF  }
0xc3: {  	_ =	shalt  }
tec
execute0_lowered:
.L_overlay_start_1:
0x0: {  	(tag) =	ssettag $0x1  }
0x1: {  	s0 =	rddreg [dreg:$0x0]  }
0x2: {  	s1 =	srdreg.scid;
	s2 =	stileid.u32  }
0x3: {  	s5 =	rddreg [dreg:$0x1];
	s11 =	simm.s32 $0x80;
	s13 =	simm.s32 $0x48  }
0x4: {  	s15 =	simm.s32 $0xAF00;
	s16 =	simm.s32 $0xEF00;
	s17 =	simm.s32 $0x1  }
0x5: {  	s18 =	simm.s32 $0x11300;
	s19 =	simm.s32 $0x2;
	s20 =	simm.s32 $0x4  }
0x6: {  	s21 =	simm.s32 $0x17700;
	s1 =	sand.u32 $0x1, s1;
	s3 =	sshll.u32 s2, $0x1  }
0x7: {  	s2 =	simm.s32 $0x0;
	s3 =	sor.u32 s1, s3;
	s1 =	ssub.s32 $0x2, s1  }
0x8: {  	[smem:$0x7FF] =	sst s2;
	s3 =	smul.u32 $0x1900, s3;
	s6 =	sshrl.u32 s1, $0x1  }
0x9: {  	s7 =	sadd.s32 $0xF43000, s5;
	_ =	strace $0x80000047;
	s1 =	ssub.s32 s1, s6  }
0xa: {  	[dreg:$0x3] =	wrdreg s7;
	s30 =	sshrl.u32 s3, $0x3;
	s31 =	smax.u32 s1, $0x1  }
0xb: {  	s4 =	sadd.s32 $0xF43800, s5;
	s0 =	sadd.s32 s0, s30;
	[dreg:$0x5] =	wrdreg s31  }
0xc: {  	s6 =	sadd.s32 $0xC00, s5;
	s1 =	simm.s32 $0x0;
	[dreg:$0x4] =	wrdreg s0  }
.LBB2_1:
0xd: {  	[dreg:$0x6] =	wrdreg s1  }
0xe: {  	s0 =	rddreg [dreg:$0x4];
	s28 =	simm.s32 $0x5  }
0xf: {  	[tilespmem:s2], [sflag:$0x5] =	stream.linear.gather [hbm4b:s0+s2], $0x1900, $0x38;
	[tilespmem:$0x1DB00] =	vst v63  }
0x10: {  	_ =	swait.ge [sflag:s28], $0x1900  }
0x11: {  	[sflag:s28] =	ssyncset.done $0x0  }
0x12: {  	s5 =	simm.s32 $0x1900;
	s29 =	rddreg [dreg:$0x3];
	[sflag:s28] =	ssyncadd.s32 $0xFFFFE700  }
0x13: {  	[tilespmem:s5], [sflag:$0x5] =	stream.linear.gather [hbm4b:s29+s2], $0x3200, $0x38;
	[tilespmem:$0x1DB00] =	vst v63  }
0x14: {  	_ =	swait.ge [sflag:s28], $0x3200  }
0x15: {  	[sflag:s28] =	ssyncset.done $0x0  }
0x16: {  	s30 =	simm.s32 $0x4B00;
	[sflag:s28] =	ssyncadd.s32 $0xFFFFCE00  }
0x17: {  	[tilespmem:s30], [sflag:$0x1] =	stream.indirect.gather [hbm4b:s4+s11], $0x80, s2, s11, $0xb8;
	[tilespmem:$0x1DB00] =	vst v63  }
0x18: {  	s31 =	simm.s32 $0x8B00;
	s24 =	simm.s32 $0x0  }
0x19: {  	[tilespmem:s31], [sflag:$0x1] =	stream.indirect.gather [hbm4b:s4+s13], $0x80, s11, s13, $0xb8;
	[tilespmem:$0x1DB00] =	vst v63  }
.LBB2_2:
0x1a: {  	s26 =	smul.u32 $0x190, s24;
	_ =	sdelay $0x1  }
0x1b: {  	s25 =	sadd.s32 $0xC8, s26  }
0x1c: {  	[tilespmem:s15], [sflag:$0x2] =	stream.indirect.gather [hbm4b:s4+s11], $0x80, s25, s11, $0xb8;
	[tilespmem:$0x1DB00] =	vst v63  }
0x1d: {  	s0 =	sadd.s32 $0x148, s26  }
0x1e: {  	[tilespmem:s16], [sflag:$0x2] =	stream.indirect.gather [hbm4b:s4+s13], $0x80, s0, s13, $0xb8;
	[tilespmem:$0x1DB00] =	vst v63  }
0x1f: {  	_ =	swait.ge [sflag:s17], $0x6400  }
0x20: {  	p0 =	seq.s32 s24, $0x0;
	[sflag:s17] =	ssyncset.done $0x0  }
0x21: {  	s0 =	simm.s32 @!p0 $0x3;
	[sflag:s17] =	ssyncadd.s32 $0xFFFF9C00  }
0x22: {  	_ =	swait.ge @!p0 [sflag:s0], $0x6400  }
0x23: {  	[sflag:s0] =	ssyncset.done @!p0 $0x0  }
0x24: {  	[sflag:s0] =	ssyncadd.s32 @!p0 $0xFFFF9C00;
	s0 =	simm.s32 $0x4D00  }
0x25: {  	s29 =	simm.s32 $0x1A00;
	v0 =	vld [tilespmem:s0+$0x180]  }
0x26: {  	v1 =	vld [tilespmem:s29+$0xC0]  }
0x27: {  	v2 =	vld [tilespmem:s29+$0xFFFFFF00]  }
0x28: {  	v3 =	vld [tilespmem:s0+$0xFFFFFE80]  }
0x29: {  	v4 =	vld [tilespmem:s29+$0xFFFFFF40]  }
0x2a: {  	v5 =	vld [tilespmem:s0+$0xFFFFFF00]  }
0x2b: {  	v6 =	vld [tilespmem:s29+$0xFFFFFF80]  }
0x2c: {  	v7 =	vld [tilespmem:s29+$0xFFFFFFC0]  }
0x2d: {  	v9 =	vld [tilespmem:s0+$0x0]  }
0x2e: {  	v10 =	vld [tilespmem:s29+$0x0]  }
0x2f: {  	v11 =	vld [tilespmem:s0+$0x80]  }
0x30: {  	v12 =	vld [tilespmem:s29+$0x40];
	v0 =	vadd.f32 v1, v0  }
0x31: {  	s28 =	simm.s32 $0x11500;
	v1 =	vld [tilespmem:s0+$0xFFFFFF80]  }
0x32: {  	s30 =	simm.s32 $0x1C0;
	v3 =	vadd.f32 v4, v3;
	v4 =	vld [tilespmem:s0+$0xFFFFFE00];
	[tilespmem:s28+$0x180] =	vst v0  }
0x33: {  	s1 =	sor.u32 $0x50, s30;
	v0 =	vld [tilespmem:s0+$0x190]  }
0x34: {  	v8 =	vld [tilespmem:s1+$0x1900]  }
0x35: {  	v13 =	vld [tilespmem:s0+$0x100];
	[tilespmem:s28+$0xFFFFFE80] =	vst v3;
	v3 =	vadd.f32 v6, v5;
	s1 =	simm.s32 $0x40  }
0x36: {  	v6 =	vld [tilespmem:s0+$0xFFFFFE90];
	s14 =	sor.u32 $0x50, s1  }
0x37: {  	[tilespmem:s28+$0xFFFFFF00] =	vst v3;
	v1 =	vadd.f32 v7, v1;
	v3 =	vld [tilespmem:s14+$0x1900]  }
0x38: {  	v2 =	vadd.f32 v2, v4;
	v4 =	vld [tilespmem:s0+$0xFFFFFF10]  }
0x39: {  	s7 =	simm.s32 $0xC0;
	[tilespmem:s28+$0xFFFFFF80] =	vst v1;
	v1 =	vld [tilespmem:s29+$0xFFFFFF90];
	v0 =	vadd.f32 v8, v0  }
0x3a: {  	s8 =	sor.u32 $0x50, s7;
	[tilespmem:s28+$0xFFFFFE00] =	vst v2;
	v2 =	vld [tilespmem:s0+$0xFFFFFF90]  }
0x3b: {  	v54 =	vld [tilespmem:s8+$0x1900];
	[tilespmem:s28+$0x190] =	vst v0  }
0x3c: {  	s5 =	sor.u32 $0x60, s30;
	v3 =	vadd.f32 v3, v6;
	v0 =	vld [tilespmem:s0+$0x1A0]  }
0x3d: {  	v5 =	vld [tilespmem:s5+$0x1900]  }
0x3e: {  	v8 =	vld [tilespmem:s29+$0x80];
	[tilespmem:s28+$0xFFFFFE90] =	vst v3;
	v1 =	vadd.f32 v1, v4  }
0x3f: {  	s10 =	sor.u32 $0x60, s1;
	v4 =	vld [tilespmem:s0+$0xFFFFFEA0]  }
0x40: {  	[tilespmem:s28+$0xFFFFFF10] =	vst v1;
	v1 =	vadd.f32 v54, v2;
	v2 =	vld [tilespmem:s10+$0x1900]  }
0x41: {  	v7 =	vld [tilespmem:s29+$0xFFFFFF10]  }
0x42: {  	v57 =	vld [tilespmem:s0+$0xFFFFFF20];
	v0 =	vadd.f32 v5, v0  }
0x43: {  	v5 =	vld [tilespmem:s0+$0xFFFFFE10];
	[tilespmem:s28+$0xFFFFFF90] =	vst v1  }
0x44: {  	v58 =	vld [tilespmem:s0+$0xFFFFFFA0];
	[tilespmem:s28+$0x1A0] =	vst v0;
	v0 =	vadd.f32 v10, v9  }
0x45: {  	s22 =	sor.u32 $0x70, s30;
	v52 =	vld [tilespmem:s0+$0x1B0];
	v2 =	vadd.f32 v2, v4  }
0x46: {  	v53 =	vld [tilespmem:s22+$0x1900];
	[tilespmem:s28+$0x0] =	vst v0;
	v0 =	vadd.f32 v12, v11  }
0x47: {  	v55 =	vld [tilespmem:s0+$0x10];
	[tilespmem:s28+$0xFFFFFEA0] =	vst v2  }
0x48: {  	[tilespmem:s28+$0x80] =	vst v0;
	v0 =	vadd.f32 v8, v13;
	v8 =	vld [tilespmem:s29+$0x10]  }
0x49: {  	s23 =	simm.s32 $0x140;
	v60 =	vld [tilespmem:s0+$0xFFFFFEB0]  }
0x4a: {  	s9 =	sor.u32 $0x50, s23;
	v56 =	vld [tilespmem:s0+$0x90]  }
0x4b: {  	[tilespmem:s28+$0x100] =	vst v0;
	v0 =	vadd.f32 v7, v5;
	v5 =	vld [tilespmem:s9+$0x1900]  }
0x4c: {  	v7 =	vld [tilespmem:s0+$0x110]  }
0x4d: {  	[tilespmem:s28+$0xFFFFFE10] =	vst v0;
	v0 =	vld [tilespmem:s29+$0x90]  }
0x4e: {  	v6 =	vld [tilespmem:s0+$0xFFFFFE20]  }
0x4f: {  	v3 =	vld [tilespmem:s29+$0xFFFFFF20];
	v1 =	vadd.f32 v8, v55  }
0x50: {  	s12 =	sor.u32 $0x60, s7;
	v8 =	vld [tilespmem:s29+$0xFFFFFFA0]  }
0x51: {  	[tilespmem:s28+$0x10] =	vst v1;
	v1 =	vadd.f32 v5, v56;
	v5 =	vld [tilespmem:s12+$0x1900]  }
0x52: {  	v59 =	vld [tilespmem:s0+$0x20]  }
0x53: {  	[tilespmem:s28+$0x90] =	vst v1;
	v0 =	vadd.f32 v0, v7;
	v1 =	vld [tilespmem:s29+$0x20]  }
0x54: {  	s14 =	sor.u32 $0x60, s23;
	v7 =	vld [tilespmem:s0+$0xA0]  }
0x55: {  	v3 =	vadd.f32 v3, v6;
	[tilespmem:s28+$0x110] =	vst v0;
	v0 =	vld [tilespmem:s14+$0x1900]  }
0x56: {  	v2 =	vadd.f32 v8, v57;
	v6 =	vld [tilespmem:s0+$0x120]  }
0x57: {  	s1 =	sor.u32 $0x70, s1;
	[tilespmem:s28+$0xFFFFFE20] =	vst v3;
	v3 =	vld [tilespmem:s29+$0xA0]  }
0x58: {  	[tilespmem:s28+$0xFFFFFF20] =	vst v2;
	v2 =	vadd.f32 v5, v58;
	v5 =	vld [tilespmem:s1+$0x1900]  }
0x59: {  	v4 =	vld [tilespmem:s0+$0xFFFFFE30]  }
0x5a: {  	v8 =	vld [tilespmem:s29+$0xFFFFFF30]  }
0x5b: {  	v61 =	vld [tilespmem:s0+$0xFFFFFF30]  }
0x5c: {  	v62 =	vld [tilespmem:s29+$0xFFFFFFB0];
	[tilespmem:s28+$0xFFFFFFA0] =	vst v2;
	v1 =	vadd.f32 v1, v59  }
0x5d: {  	s22 =	sor.u32 $0x70, s7;
	v2 =	vadd.f32 v53, v52;
	v63 =	vld [tilespmem:s0+$0xFFFFFFB0]  }
0x5e: {  	[tilespmem:s28+$0x20] =	vst v1;
	v1 =	vadd.f32 v0, v7;
	v7 =	vld [tilespmem:s22+$0x1900]  }
0x5f: {  	[tilespmem:s28+$0x1B0] =	vst v2;
	v3 =	vadd.f32 v3, v6;
	v0 =	vld [tilespmem:s0+$0x30]  }
0x60: {  	v2 =	vld [tilespmem:s29+$0x30];
	[tilespmem:s28+$0xA0] =	vst v1;
	v4 =	vadd.f32 v8, v4  }
0x61: {  	s23 =	sor.u32 $0x70, s23;
	[tilespmem:s28+$0x120] =	vst v3;
	v3 =	vadd.f32 v5, v60;
	v1 =	vld [tilespmem:s0+$0xB0]  }
0x62: {  	v5 =	vadd.f32 v62, v61;
	[tilespmem:s28+$0xFFFFFE30] =	vst v4;
	v4 =	vld [tilespmem:s23+$0x1900]  }
0x63: {  	[tilespmem:s28+$0xFFFFFEB0] =	vst v3;
	v3 =	vld [tilespmem:s0+$0x130];
	v6 =	vadd.f32 v7, v63  }
0x64: {  	s31 =	simm.s32 $0x0;
	s1 =	simm.s32 $0x5100;
	[tilespmem:s28+$0xFFFFFF30] =	vst v5;
	v5 =	vld [tilespmem:s29+$0xB0]  }
.LBB2_3:
0x65: {  	v7 =	vld [tilespmem:s1+$0x180];
	[tilespmem:s28+$0xFFFFFFB0] =	vst v6;
	v0 =	vadd.f32 v2, v0;
	s29 =	sadd.s32 $0x200, s29  }
0x66: {  	v2 =	vld [tilespmem:s29+$0xC0]  }
0x67: {  	v6 =	vld [tilespmem:s29+$0xFFFFFF00];
	[tilespmem:s28+$0x30] =	vst v0;
	v0 =	vadd.f32 v4, v1  }
0x68: {  	v1 =	vld [tilespmem:s1+$0xFFFFFE80]  }
0x69: {  	s31 =	sadd.s32 $0x8, s31;
	v4 =	vld [tilespmem:s29+$0xFFFFFF40];
	[tilespmem:s28+$0xB0] =	vst v0;
	v0 =	vadd.f32 v5, v3  }
0x6a: {  	p1 =	slt.u32 s31, $0xC0;
	v3 =	vld [tilespmem:s1+$0xFFFFFF00]  }
0x6b: {  	v5 =	vld [tilespmem:s29+$0xFFFFFF80];
	v2 =	vadd.f32 v2, v7;
	[tilespmem:s28+$0x130] =	vst v0  }
0x6c: {  	s28 =	sadd.s32 $0x400, s28;
	v0 =	vld [tilespmem:s1+$0xFFFFFF80]  }
0x6d: {  	s30 =	sadd.s32 $0x200, s30;
	v7 =	vld [tilespmem:s29+$0xFFFFFFC0];
	[tilespmem:s28+$0x180] =	vst v2  }
0x6e: {  	s0 =	sadd.s32 $0xFFFFFE80, s30;
	s7 =	sadd.s32 $0xFFFFFF00, s30;
	s5 =	sor.u32 $0x50, s30;
	v1 =	vadd.f32 v4, v1;
	v2 =	vld [tilespmem:s1+$0x190]  }
0x6f: {  	s14 =	sadd.s32 $0xFFFFFF80, s30;
	s12 =	sor.u32 $0x50, s0;
	s23 =	sor.u32 $0x50, s7;
	v4 =	vld [tilespmem:s5+$0x1900]  }
0x70: {  	s22 =	sor.u32 $0x60, s0;
	s8 =	sor.u32 $0x60, s7;
	s9 =	sor.u32 $0x50, s14;
	[tilespmem:s28+$0xFFFFFE80] =	vst v1;
	v1 =	vadd.f32 v5, v3;
	v3 =	vld [tilespmem:s1+$0x0]  }
0x71: {  	s10 =	sor.u32 $0x70, s7;
	s7 =	sor.u32 $0x60, s14;
	s5 =	sor.u32 $0x70, s0;
	v5 =	vld [tilespmem:s29+$0x0]  }
0x72: {  	s0 =	sor.u32 $0x70, s14;
	[tilespmem:s28+$0xFFFFFF00] =	vst v1;
	v0 =	vadd.f32 v7, v0;
	v1 =	vld [tilespmem:s1+$0x80]  }
0x73: {  	v7 =	vld [tilespmem:s29+$0x40]  }
0x74: {  	[tilespmem:s28+$0xFFFFFF80] =	vst v0;
	v0 =	vld [tilespmem:s1+$0x100];
	v2 =	vadd.f32 v4, v2  }
0x75: {  	v4 =	vld [tilespmem:s29+$0x80]  }
0x76: {  	v8 =	vld [tilespmem:s1+$0xFFFFFE00];
	v3 =	vadd.f32 v5, v3;
	[tilespmem:s28+$0x190] =	vst v2  }
0x77: {  	s14 =	sor.u32 $0x60, s30;
	v2 =	vld [tilespmem:s1+$0x1A0]  }
0x78: {  	[tilespmem:s28+$0x0] =	vst v3;
	v1 =	vadd.f32 v7, v1;
	v3 =	vld [tilespmem:s14+$0x1900]  }
0x79: {  	v5 =	vld [tilespmem:s1+$0xFFFFFE90]  }
0x7a: {  	v7 =	vld [tilespmem:s12+$0x1900];
	[tilespmem:s28+$0x80] =	vst v1;
	v0 =	vadd.f32 v4, v0  }
0x7b: {  	v1 =	vadd.f32 v6, v8;
	v4 =	vld [tilespmem:s1+$0xFFFFFF10]  }
0x7c: {  	v6 =	vld [tilespmem:s29+$0xFFFFFF90];
	[tilespmem:s28+$0x100] =	vst v0  }
0x7d: {  	[tilespmem:s28+$0xFFFFFE00] =	vst v1;
	v0 =	vld [tilespmem:s1+$0xFFFFFF90];
	v1 =	vadd.f32 v3, v2  }
0x7e: {  	v2 =	vld [tilespmem:s1+$0xFFFFFE10]  }
0x7f: {  	v3 =	vld [tilespmem:s29+$0xFFFFFF10];
	v5 =	vadd.f32 v7, v5;
	[tilespmem:s28+$0x1A0] =	vst v1  }
0x80: {  	s12 =	sor.u32 $0x70, s30;
	v1 =	vld [tilespmem:s1+$0x1B0]  }
0x81: {  	[tilespmem:s28+$0xFFFFFE90] =	vst v5;
	v4 =	vadd.f32 v6, v4;
	v5 =	vld [tilespmem:s12+$0x1900]  }
0x82: {  	v6 =	vld [tilespmem:s23+$0x1900]  }
0x83: {  	[tilespmem:s28+$0xFFFFFF10] =	vst v4;
	v4 =	vld [tilespmem:s1+$0x10]  }
0x84: {  	v2 =	vadd.f32 v3, v2;
	v3 =	vld [tilespmem:s29+$0x10]  }
0x85: {  	v7 =	vld [tilespmem:s1+$0x90]  }
0x86: {  	[tilespmem:s28+$0xFFFFFE10] =	vst v2;
	v2 =	vld [tilespmem:s9+$0x1900];
	v1 =	vadd.f32 v5, v1  }
0x87: {  	v0 =	vadd.f32 v6, v0;
	v5 =	vld [tilespmem:s1+$0x110]  }
0x88: {  	v6 =	vld [tilespmem:s29+$0x90];
	[tilespmem:s28+$0x1B0] =	vst v1  }
0x89: {  	v1 =	vld [tilespmem:s1+$0xFFFFFE20];
	[tilespmem:s28+$0xFFFFFF90] =	vst v0;
	v0 =	vadd.f32 v3, v4  }
0x8a: {  	v3 =	vld [tilespmem:s29+$0xFFFFFF20]  }
0x8b: {  	v4 =	vld [tilespmem:s1+$0xFFFFFEA0];
	[tilespmem:s28+$0x10] =	vst v0;
	v0 =	vadd.f32 v2, v7  }
0x8c: {  	v2 =	vld [tilespmem:s22+$0x1900]  }
0x8d: {  	v7 =	vld [tilespmem:s1+$0xFFFFFF20];
	[tilespmem:s28+$0x90] =	vst v0;
	v0 =	vadd.f32 v6, v5  }
0x8e: {  	v5 =	vld [tilespmem:s29+$0xFFFFFFA0]  }
0x8f: {  	v1 =	vadd.f32 v3, v1;
	v3 =	vld [tilespmem:s1+$0xFFFFFFA0];
	[tilespmem:s28+$0x110] =	vst v0  }
0x90: {  	v0 =	vld [tilespmem:s8+$0x1900]  }
0x91: {  	[tilespmem:s28+$0xFFFFFE20] =	vst v1;
	v1 =	vadd.f32 v2, v4;
	v2 =	vld [tilespmem:s1+$0x20]  }
0x92: {  	v4 =	vld [tilespmem:s29+$0x20]  }
0x93: {  	[tilespmem:s28+$0xFFFFFEA0] =	vst v1;
	v1 =	vadd.f32 v5, v7;
	v5 =	vld [tilespmem:s1+$0xA0]  }
0x94: {  	v6 =	vld [tilespmem:s7+$0x1900]  }
0x95: {  	[tilespmem:s28+$0xFFFFFF20] =	vst v1;
	v0 =	vadd.f32 v0, v3;
	v1 =	vld [tilespmem:s1+$0x120]  }
0x96: {  	v3 =	vld [tilespmem:s29+$0xA0]  }
0x97: {  	v7 =	vld [tilespmem:s1+$0xFFFFFE30];
	[tilespmem:s28+$0xFFFFFFA0] =	vst v0;
	v0 =	vadd.f32 v4, v2  }
0x98: {  	v2 =	vld [tilespmem:s29+$0xFFFFFF30]  }
0x99: {  	v4 =	vld [tilespmem:s1+$0xFFFFFEB0];
	[tilespmem:s28+$0x20] =	vst v0;
	v0 =	vadd.f32 v6, v5  }
0x9a: {  	v5 =	vld [tilespmem:s5+$0x1900]  }
0x9b: {  	v6 =	vld [tilespmem:s1+$0xFFFFFF30];
	[tilespmem:s28+$0xA0] =	vst v0;
	v0 =	vadd.f32 v3, v1  }
0x9c: {  	v1 =	vld [tilespmem:s29+$0xFFFFFFB0]  }
0x9d: {  	v2 =	vadd.f32 v2, v7;
	v3 =	vld [tilespmem:s1+$0xFFFFFFB0];
	[tilespmem:s28+$0x120] =	vst v0  }
0x9e: {  	v7 =	vld [tilespmem:s10+$0x1900]  }
0x9f: {  	[tilespmem:s28+$0xFFFFFE30] =	vst v2;
	v4 =	vadd.f32 v5, v4;
	v0 =	vld [tilespmem:s1+$0x30]  }
.Ltmp0:
0xa0: {  	v2 =	vld [tilespmem:s29+$0x30];
	(pc) =	sbr.rel @p1 .LBB2_3-.Ltmp0, $4  }
0xa1: {  	[tilespmem:s28+$0xFFFFFEB0] =	vst v4;
	v5 =	vadd.f32 v1, v6;
	v1 =	vld [tilespmem:s1+$0xB0]  }
0xa2: {  	v4 =	vld [tilespmem:s0+$0x1900]  }
0xa3: {  	[tilespmem:s28+$0xFFFFFF30] =	vst v5;
	v6 =	vadd.f32 v7, v3;
	v3 =	vld [tilespmem:s1+$0x130]  }
0xa4: {  	s1 =	sadd.s32 $0x400, s1;
	v5 =	vld [tilespmem:s29+$0xB0]  }
0xa5: {  	_ =	sdelay $0x1  }
0xa6: {  	v0 =	vadd.f32 v2, v0;
	p1 =	sne.s32 s24, $0xF  }
.Ltmp1:
0xa7: {  	[tilespmem:s28+$0xFFFFFFB0] =	vst v6;
	v1 =	vadd.f32 v4, v1;
	(pc) =	sbr.rel @p1 .LBB2_6-.Ltmp1, $4  }
0xa8: {  	s0 =	sadd.s32 s3, s26;
	[tilespmem:s28+$0x30] =	vst v0;
	v63 =	vadd.f32 v5, v3  }
0xa9: {  	s0 =	sshll.u32 s0, $0x4;
	[tilespmem:s28+$0xB0] =	vst v1  }
0xaa: {  	s0 =	sadd.s32 s6, s0;
	[tilespmem:s28+$0x130] =	vst v63  }
0xab: {  	[hbm4b:s0+s2] =	stream.linear.scatter [tilespmem:s18], [sflag:$0x3], $0x6400, $0x38;
	[tilespmem:$0x1DB00] =	vst v63  }
.Ltmp2:
0xac: {  	(pc) =	sbr.rel .LBB2_7-.Ltmp2, $4  }
0xad: {  	_ = 	snop  }
0xae: {  	_ =	swait.ge [sflag:s19], $0x6400  }
0xaf: {  	[sflag:s19] =	ssyncset.done $0x0  }
0xb0: {  	[sflag:s19] =	ssyncadd.s32 $0xFFFF9C00  }
.LBB2_6:
0xb1: {  	s0 =	sadd.s32 $0x190, s26;
	s1 =	simm.s32 $0x4B00  }
0xb2: {  	[tilespmem:s1], [sflag:$0x1] =	stream.indirect.gather [hbm4b:s4+s11], $0x80, s0, s11, $0xb8;
	[tilespmem:$0x1DB00] =	vst v63  }
.Ltmp3:
0xb3: {  	s30 =	sadd.s32 $0x210, s26;
	s31 =	simm.s32 $0x8B00;
	(pc) =	sbr.rel @p0 .LBB2_8-.Ltmp3, $4  }
0xb4: {  	[tilespmem:s31], [sflag:$0x1] =	stream.indirect.gather [hbm4b:s4+s13], $0x80, s30, s13, $0xb8;
	[tilespmem:$0x1DB00] =	vst v63  }
0xb5: {  	_ =	swait.ge [sflag:s19], $0x6400  }
0xb6: {  	[sflag:s19] =	ssyncset.done $0x0  }
0xb7: {  	[sflag:s19] =	ssyncadd.s32 $0xFFFF9C00  }
.LBB2_7:
0xb8: {  	_ =	swait.ge [sflag:s20], $0x6400  }
0xb9: {  	[sflag:s20] =	ssyncset.done $0x0  }
0xba: {  	[sflag:s20] =	ssyncadd.s32 $0xFFFF9C00  }
.LBB2_8:
0xbb: {  	s0 =	simm.s32 $0xB100  }
0xbc: {  	s28 =	simm.s32 $0x1A00;
	v0 =	vld [tilespmem:s0+$0x180]  }
0xbd: {  	v1 =	vld [tilespmem:s28+$0xC0]  }
0xbe: {  	v2 =	vld [tilespmem:s28+$0xFFFFFF00]  }
0xbf: {  	v3 =	vld [tilespmem:s0+$0xFFFFFE80]  }
0xc0: {  	v4 =	vld [tilespmem:s28+$0xFFFFFF40]  }
0xc1: {  	v5 =	vld [tilespmem:s0+$0xFFFFFF00]  }
0xc2: {  	v6 =	vld [tilespmem:s28+$0xFFFFFF80]  }
0xc3: {  	v7 =	vld [tilespmem:s28+$0xFFFFFFC0]  }
0xc4: {  	v9 =	vld [tilespmem:s0+$0x0]  }
0xc5: {  	v10 =	vld [tilespmem:s28+$0x0]  }
0xc6: {  	v11 =	vld [tilespmem:s0+$0x80]  }
0xc7: {  	v12 =	vld [tilespmem:s28+$0x40];
	v0 =	vadd.f32 v1, v0  }
0xc8: {  	s26 =	simm.s32 $0x17900;
	v1 =	vld [tilespmem:s0+$0xFFFFFF80]  }
0xc9: {  	s29 =	simm.s32 $0x1C0;
	v3 =	vadd.f32 v4, v3;
	v4 =	vld [tilespmem:s0+$0xFFFFFE00];
	[tilespmem:s26+$0x180] =	vst v0  }
0xca: {  	s1 =	sor.u32 $0x50, s29;
	v0 =	vld [tilespmem:s0+$0x190]  }
0xcb: {  	v8 =	vld [tilespmem:s1+$0x1900]  }
0xcc: {  	v13 =	vld [tilespmem:s0+$0x100];
	[tilespmem:s26+$0xFFFFFE80] =	vst v3;
	v3 =	vadd.f32 v6, v5;
	s1 =	simm.s32 $0x40  }
0xcd: {  	v6 =	vld [tilespmem:s0+$0xFFFFFE90];
	s23 =	sor.u32 $0x50, s1  }
0xce: {  	[tilespmem:s26+$0xFFFFFF00] =	vst v3;
	v1 =	vadd.f32 v7, v1;
	v3 =	vld [tilespmem:s23+$0x1900]  }
0xcf: {  	v2 =	vadd.f32 v2, v4;
	v4 =	vld [tilespmem:s0+$0xFFFFFF10]  }
0xd0: {  	s7 =	simm.s32 $0xC0;
	[tilespmem:s26+$0xFFFFFF80] =	vst v1;
	v1 =	vld [tilespmem:s28+$0xFFFFFF90];
	v0 =	vadd.f32 v8, v0  }
0xd1: {  	s8 =	sor.u32 $0x50, s7;
	[tilespmem:s26+$0xFFFFFE00] =	vst v2;
	v2 =	vld [tilespmem:s0+$0xFFFFFF90]  }
0xd2: {  	v54 =	vld [tilespmem:s8+$0x1900];
	[tilespmem:s26+$0x190] =	vst v0  }
0xd3: {  	s5 =	sor.u32 $0x60, s29;
	v3 =	vadd.f32 v3, v6;
	v0 =	vld [tilespmem:s0+$0x1A0]  }
0xd4: {  	v5 =	vld [tilespmem:s5+$0x1900]  }
0xd5: {  	v8 =	vld [tilespmem:s28+$0x80];
	[tilespmem:s26+$0xFFFFFE90] =	vst v3;
	v1 =	vadd.f32 v1, v4  }
0xd6: {  	s12 =	sor.u32 $0x60, s1;
	v4 =	vld [tilespmem:s0+$0xFFFFFEA0]  }
0xd7: {  	[tilespmem:s26+$0xFFFFFF10] =	vst v1;
	v1 =	vadd.f32 v54, v2;
	v2 =	vld [tilespmem:s12+$0x1900]  }
0xd8: {  	v7 =	vld [tilespmem:s28+$0xFFFFFF10]  }
0xd9: {  	v57 =	vld [tilespmem:s0+$0xFFFFFF20];
	v0 =	vadd.f32 v5, v0  }
0xda: {  	v5 =	vld [tilespmem:s0+$0xFFFFFE10];
	[tilespmem:s26+$0xFFFFFF90] =	vst v1  }
0xdb: {  	v58 =	vld [tilespmem:s0+$0xFFFFFFA0];
	[tilespmem:s26+$0x1A0] =	vst v0;
	v0 =	vadd.f32 v10, v9  }
0xdc: {  	s31 =	sor.u32 $0x70, s29;
	v52 =	vld [tilespmem:s0+$0x1B0];
	v2 =	vadd.f32 v2, v4  }
0xdd: {  	v53 =	vld [tilespmem:s31+$0x1900];
	[tilespmem:s26+$0x0] =	vst v0;
	v0 =	vadd.f32 v12, v11  }
0xde: {  	v55 =	vld [tilespmem:s0+$0x10];
	[tilespmem:s26+$0xFFFFFEA0] =	vst v2  }
0xdf: {  	[tilespmem:s26+$0x80] =	vst v0;
	v0 =	vadd.f32 v8, v13;
	v8 =	vld [tilespmem:s28+$0x10]  }
0xe0: {  	s9 =	simm.s32 $0x140;
	v60 =	vld [tilespmem:s0+$0xFFFFFEB0]  }
0xe1: {  	s10 =	sor.u32 $0x50, s9;
	v56 =	vld [tilespmem:s0+$0x90]  }
0xe2: {  	[tilespmem:s26+$0x100] =	vst v0;
	v0 =	vadd.f32 v7, v5;
	v5 =	vld [tilespmem:s10+$0x1900]  }
0xe3: {  	v7 =	vld [tilespmem:s0+$0x110]  }
0xe4: {  	[tilespmem:s26+$0xFFFFFE10] =	vst v0;
	v0 =	vld [tilespmem:s28+$0x90]  }
0xe5: {  	v6 =	vld [tilespmem:s0+$0xFFFFFE20]  }
0xe6: {  	v3 =	vld [tilespmem:s28+$0xFFFFFF20];
	v1 =	vadd.f32 v8, v55  }
0xe7: {  	s14 =	sor.u32 $0x60, s7;
	v8 =	vld [tilespmem:s28+$0xFFFFFFA0]  }
0xe8: {  	[tilespmem:s26+$0x10] =	vst v1;
	v1 =	vadd.f32 v5, v56;
	v5 =	vld [tilespmem:s14+$0x1900]  }
0xe9: {  	v59 =	vld [tilespmem:s0+$0x20]  }
0xea: {  	[tilespmem:s26+$0x90] =	vst v1;
	v0 =	vadd.f32 v0, v7;
	v1 =	vld [tilespmem:s28+$0x20]  }
0xeb: {  	s22 =	sor.u32 $0x60, s9;
	v7 =	vld [tilespmem:s0+$0xA0]  }
0xec: {  	v3 =	vadd.f32 v3, v6;
	[tilespmem:s26+$0x110] =	vst v0;
	v0 =	vld [tilespmem:s22+$0x1900]  }
0xed: {  	v2 =	vadd.f32 v8, v57;
	v6 =	vld [tilespmem:s0+$0x120]  }
0xee: {  	s1 =	sor.u32 $0x70, s1;
	[tilespmem:s26+$0xFFFFFE20] =	vst v3;
	v3 =	vld [tilespmem:s28+$0xA0]  }
0xef: {  	[tilespmem:s26+$0xFFFFFF20] =	vst v2;
	v2 =	vadd.f32 v5, v58;
	v5 =	vld [tilespmem:s1+$0x1900]  }
0xf0: {  	v4 =	vld [tilespmem:s0+$0xFFFFFE30]  }
0xf1: {  	v8 =	vld [tilespmem:s28+$0xFFFFFF30]  }
0xf2: {  	v61 =	vld [tilespmem:s0+$0xFFFFFF30]  }
0xf3: {  	v62 =	vld [tilespmem:s28+$0xFFFFFFB0];
	[tilespmem:s26+$0xFFFFFFA0] =	vst v2;
	v1 =	vadd.f32 v1, v59  }
0xf4: {  	s23 =	sor.u32 $0x70, s7;
	v2 =	vadd.f32 v53, v52;
	v63 =	vld [tilespmem:s0+$0xFFFFFFB0]  }
0xf5: {  	[tilespmem:s26+$0x20] =	vst v1;
	v1 =	vadd.f32 v0, v7;
	v7 =	vld [tilespmem:s23+$0x1900]  }
0xf6: {  	[tilespmem:s26+$0x1B0] =	vst v2;
	v3 =	vadd.f32 v3, v6;
	v0 =	vld [tilespmem:s0+$0x30]  }
0xf7: {  	v2 =	vld [tilespmem:s28+$0x30];
	[tilespmem:s26+$0xA0] =	vst v1;
	v4 =	vadd.f32 v8, v4  }
0xf8: {  	s31 =	sor.u32 $0x70, s9;
	[tilespmem:s26+$0x120] =	vst v3;
	v3 =	vadd.f32 v5, v60;
	v1 =	vld [tilespmem:s0+$0xB0]  }
0xf9: {  	v5 =	vadd.f32 v62, v61;
	[tilespmem:s26+$0xFFFFFE30] =	vst v4;
	v4 =	vld [tilespmem:s31+$0x1900]  }
0xfa: {  	[tilespmem:s26+$0xFFFFFEB0] =	vst v3;
	v3 =	vld [tilespmem:s0+$0x130];
	v6 =	vadd.f32 v7, v63  }
0xfb: {  	s30 =	simm.s32 $0x0;
	s1 =	simm.s32 $0xB500;
	[tilespmem:s26+$0xFFFFFF30] =	vst v5;
	v5 =	vld [tilespmem:s28+$0xB0]  }
.LBB2_9:
0xfc: {  	v7 =	vld [tilespmem:s1+$0x180];
	[tilespmem:s26+$0xFFFFFFB0] =	vst v6;
	v0 =	vadd.f32 v2, v0;
	s28 =	sadd.s32 $0x200, s28  }
0xfd: {  	v2 =	vld [tilespmem:s28+$0xC0]  }
0xfe: {  	v6 =	vld [tilespmem:s28+$0xFFFFFF00];
	[tilespmem:s26+$0x30] =	vst v0;
	v0 =	vadd.f32 v4, v1  }
0xff: {  	v1 =	vld [tilespmem:s1+$0xFFFFFE80]  }
0x100: {  	s30 =	sadd.s32 $0x8, s30;
	v4 =	vld [tilespmem:s28+$0xFFFFFF40];
	[tilespmem:s26+$0xB0] =	vst v0;
	v0 =	vadd.f32 v5, v3  }
0x101: {  	p0 =	slt.u32 s30, $0xC0;
	v3 =	vld [tilespmem:s1+$0xFFFFFF00]  }
0x102: {  	v5 =	vld [tilespmem:s28+$0xFFFFFF80];
	v2 =	vadd.f32 v2, v7;
	[tilespmem:s26+$0x130] =	vst v0  }
0x103: {  	s26 =	sadd.s32 $0x400, s26;
	v0 =	vld [tilespmem:s1+$0xFFFFFF80]  }
0x104: {  	s29 =	sadd.s32 $0x200, s29;
	v7 =	vld [tilespmem:s28+$0xFFFFFFC0];
	[tilespmem:s26+$0x180] =	vst v2  }
0x105: {  	s0 =	sadd.s32 $0xFFFFFE80, s29;
	s7 =	sadd.s32 $0xFFFFFF00, s29;
	s5 =	sor.u32 $0x50, s29;
	v1 =	vadd.f32 v4, v1;
	v2 =	vld [tilespmem:s1+$0x190]  }
0x106: {  	s14 =	sadd.s32 $0xFFFFFF80, s29;
	s12 =	sor.u32 $0x50, s0;
	s23 =	sor.u32 $0x50, s7;
	v4 =	vld [tilespmem:s5+$0x1900]  }
0x107: {  	s22 =	sor.u32 $0x60, s0;
	s8 =	sor.u32 $0x60, s7;
	s9 =	sor.u32 $0x50, s14;
	[tilespmem:s26+$0xFFFFFE80] =	vst v1;
	v1 =	vadd.f32 v5, v3;
	v3 =	vld [tilespmem:s1+$0x0]  }
0x108: {  	s10 =	sor.u32 $0x70, s7;
	s7 =	sor.u32 $0x60, s14;
	s5 =	sor.u32 $0x70, s0;
	v5 =	vld [tilespmem:s28+$0x0]  }
0x109: {  	s0 =	sor.u32 $0x70, s14;
	[tilespmem:s26+$0xFFFFFF00] =	vst v1;
	v0 =	vadd.f32 v7, v0;
	v1 =	vld [tilespmem:s1+$0x80]  }
0x10a: {  	v7 =	vld [tilespmem:s28+$0x40]  }
0x10b: {  	[tilespmem:s26+$0xFFFFFF80] =	vst v0;
	v0 =	vld [tilespmem:s1+$0x100];
	v2 =	vadd.f32 v4, v2  }
0x10c: {  	v4 =	vld [tilespmem:s28+$0x80]  }
0x10d: {  	v8 =	vld [tilespmem:s1+$0xFFFFFE00];
	v3 =	vadd.f32 v5, v3;
	[tilespmem:s26+$0x190] =	vst v2  }
0x10e: {  	s14 =	sor.u32 $0x60, s29;
	v2 =	vld [tilespmem:s1+$0x1A0]  }
0x10f: {  	[tilespmem:s26+$0x0] =	vst v3;
	v1 =	vadd.f32 v7, v1;
	v3 =	vld [tilespmem:s14+$0x1900]  }
0x110: {  	v5 =	vld [tilespmem:s1+$0xFFFFFE90]  }
0x111: {  	v7 =	vld [tilespmem:s12+$0x1900];
	[tilespmem:s26+$0x80] =	vst v1;
	v0 =	vadd.f32 v4, v0  }
0x112: {  	v1 =	vadd.f32 v6, v8;
	v4 =	vld [tilespmem:s1+$0xFFFFFF10]  }
0x113: {  	v6 =	vld [tilespmem:s28+$0xFFFFFF90];
	[tilespmem:s26+$0x100] =	vst v0  }
0x114: {  	[tilespmem:s26+$0xFFFFFE00] =	vst v1;
	v0 =	vld [tilespmem:s1+$0xFFFFFF90];
	v1 =	vadd.f32 v3, v2  }
0x115: {  	v2 =	vld [tilespmem:s1+$0xFFFFFE10]  }
0x116: {  	v3 =	vld [tilespmem:s28+$0xFFFFFF10];
	v5 =	vadd.f32 v7, v5;
	[tilespmem:s26+$0x1A0] =	vst v1  }
0x117: {  	s12 =	sor.u32 $0x70, s29;
	v1 =	vld [tilespmem:s1+$0x1B0]  }
0x118: {  	[tilespmem:s26+$0xFFFFFE90] =	vst v5;
	v4 =	vadd.f32 v6, v4;
	v5 =	vld [tilespmem:s12+$0x1900]  }
0x119: {  	v6 =	vld [tilespmem:s23+$0x1900]  }
0x11a: {  	[tilespmem:s26+$0xFFFFFF10] =	vst v4;
	v4 =	vld [tilespmem:s1+$0x10]  }
0x11b: {  	v2 =	vadd.f32 v3, v2;
	v3 =	vld [tilespmem:s28+$0x10]  }
0x11c: {  	v7 =	vld [tilespmem:s1+$0x90]  }
0x11d: {  	[tilespmem:s26+$0xFFFFFE10] =	vst v2;
	v2 =	vld [tilespmem:s9+$0x1900];
	v1 =	vadd.f32 v5, v1  }
0x11e: {  	v0 =	vadd.f32 v6, v0;
	v5 =	vld [tilespmem:s1+$0x110]  }
0x11f: {  	v6 =	vld [tilespmem:s28+$0x90];
	[tilespmem:s26+$0x1B0] =	vst v1  }
0x120: {  	v1 =	vld [tilespmem:s1+$0xFFFFFE20];
	[tilespmem:s26+$0xFFFFFF90] =	vst v0;
	v0 =	vadd.f32 v3, v4  }
0x121: {  	v3 =	vld [tilespmem:s28+$0xFFFFFF20]  }
0x122: {  	v4 =	vld [tilespmem:s1+$0xFFFFFEA0];
	[tilespmem:s26+$0x10] =	vst v0;
	v0 =	vadd.f32 v2, v7  }
0x123: {  	v2 =	vld [tilespmem:s22+$0x1900]  }
0x124: {  	v7 =	vld [tilespmem:s1+$0xFFFFFF20];
	[tilespmem:s26+$0x90] =	vst v0;
	v0 =	vadd.f32 v6, v5  }
0x125: {  	v5 =	vld [tilespmem:s28+$0xFFFFFFA0]  }
0x126: {  	v1 =	vadd.f32 v3, v1;
	v3 =	vld [tilespmem:s1+$0xFFFFFFA0];
	[tilespmem:s26+$0x110] =	vst v0  }
0x127: {  	v0 =	vld [tilespmem:s8+$0x1900]  }
0x128: {  	[tilespmem:s26+$0xFFFFFE20] =	vst v1;
	v1 =	vadd.f32 v2, v4;
	v2 =	vld [tilespmem:s1+$0x20]  }
0x129: {  	v4 =	vld [tilespmem:s28+$0x20]  }
0x12a: {  	[tilespmem:s26+$0xFFFFFEA0] =	vst v1;
	v1 =	vadd.f32 v5, v7;
	v5 =	vld [tilespmem:s1+$0xA0]  }
0x12b: {  	v6 =	vld [tilespmem:s7+$0x1900]  }
0x12c: {  	[tilespmem:s26+$0xFFFFFF20] =	vst v1;
	v0 =	vadd.f32 v0, v3;
	v1 =	vld [tilespmem:s1+$0x120]  }
0x12d: {  	v3 =	vld [tilespmem:s28+$0xA0]  }
0x12e: {  	v7 =	vld [tilespmem:s1+$0xFFFFFE30];
	[tilespmem:s26+$0xFFFFFFA0] =	vst v0;
	v0 =	vadd.f32 v4, v2  }
0x12f: {  	v2 =	vld [tilespmem:s28+$0xFFFFFF30]  }
0x130: {  	v4 =	vld [tilespmem:s1+$0xFFFFFEB0];
	[tilespmem:s26+$0x20] =	vst v0;
	v0 =	vadd.f32 v6, v5  }
0x131: {  	v5 =	vld [tilespmem:s5+$0x1900]  }
0x132: {  	v6 =	vld [tilespmem:s1+$0xFFFFFF30];
	[tilespmem:s26+$0xA0] =	vst v0;
	v0 =	vadd.f32 v3, v1  }
0x133: {  	v1 =	vld [tilespmem:s28+$0xFFFFFFB0]  }
0x134: {  	v2 =	vadd.f32 v2, v7;
	v3 =	vld [tilespmem:s1+$0xFFFFFFB0];
	[tilespmem:s26+$0x120] =	vst v0  }
0x135: {  	v7 =	vld [tilespmem:s10+$0x1900]  }
0x136: {  	[tilespmem:s26+$0xFFFFFE30] =	vst v2;
	v4 =	vadd.f32 v5, v4;
	v0 =	vld [tilespmem:s1+$0x30]  }
.Ltmp4:
0x137: {  	v2 =	vld [tilespmem:s28+$0x30];
	(pc) =	sbr.rel @p0 .LBB2_9-.Ltmp4, $4  }
0x138: {  	[tilespmem:s26+$0xFFFFFEB0] =	vst v4;
	v5 =	vadd.f32 v1, v6;
	v1 =	vld [tilespmem:s1+$0xB0]  }
0x139: {  	v4 =	vld [tilespmem:s0+$0x1900]  }
0x13a: {  	[tilespmem:s26+$0xFFFFFF30] =	vst v5;
	v6 =	vadd.f32 v7, v3;
	v3 =	vld [tilespmem:s1+$0x130]  }
0x13b: {  	s1 =	sadd.s32 $0x400, s1;
	v5 =	vld [tilespmem:s28+$0xB0]  }
0x13c: {  	_ = 	snop  }
0x13d: {  	s24 =	sadd.s32 $0x1, s24  }
0x13e: {  	v0 =	vadd.f32 v2, v0;
	p0 =	sne.s32 s24, $0x10  }
.Ltmp5:
0x13f: {  	[tilespmem:s26+$0xFFFFFFB0] =	vst v6;
	v1 =	vadd.f32 v4, v1;
	(pc) =	sbr.rel @p0 .LBB2_2-.Ltmp5, $4  }
0x140: {  	s0 =	sadd.s32 s3, s25;
	[tilespmem:s26+$0x30] =	vst v0;
	v63 =	vadd.f32 v5, v3  }
0x141: {  	s0 =	sshll.u32 s0, $0x4;
	[tilespmem:s26+$0xB0] =	vst v1  }
0x142: {  	s0 =	sadd.s32 s6, s0;
	[tilespmem:s26+$0x130] =	vst v63  }
0x143: {  	[hbm4b:s0+s2] =	stream.linear.scatter [tilespmem:s21], [sflag:$0x4], $0x6400, $0x38;
	[tilespmem:$0x1DB00] =	vst v63  }
0x144: {  	s0 =	simm.s32 $0x3  }
0x145: {  	_ =	swait.ge [sflag:s0], $0x6400  }
0x146: {  	[sflag:s0] =	ssyncset.done $0x0  }
0x147: {  	[sflag:s0] =	ssyncadd.s32 $0xFFFF9C00  }
0x148: {  	_ =	swait.ge [sflag:s20], $0x6400  }
0x149: {  	s1 =	rddreg [dreg:$0x6]  }
0x14a: {  	s31 =	rddreg [dreg:$0x5];
	s1 =	sadd.s32 $0x1, s1  }
0x14b: {  	p0 =	sne.s32 s1, s31  }
.Ltmp6:
0x14c: {  	_ = 	snop;
	(pc) =	sbr.rel @p0 .LBB2_1-.Ltmp6, $3  }
0x14d: {  	_ =	sdelay $0x1  }
0x14e: {  	[sflag:s20] =	ssyncset.done $0x0  }
0x14f: {  	[sflag:s20] =	ssyncadd.s32 $0xFFFF9C00  }
0x150: {  	_ =	sfence.sel $0x180000  }
0x151: {  	[bflag:$0x0] =	sbarrier.arrive $0xFFFF  }
0x152: {  	_ =	strace $0x90000047  }
0x153: {  	s0 =	stileid.u32;
	[bflag:$0x2] =	sbarrier.arrive $0xFFFF  }
0x154: {  	p0 =	sne.s32 s0, $0x0;
	s0 =	rddreg [dreg:$0x2]  }
0x155: {  	s0 =	sadd.s32 @!p0 $0x100000, s0  }
0x156: {  	[sflag:s0] =	ssyncadd.tile.s32 @!p0 $0x1;
	_ =	shalt  }
.Lfunc_end2:
_tile_overlayer_lowered:
.L_overlay_start_2:
0x157: {  	(tag) =	ssettag $0x2  }
0x158: {  	s0 =	rddreg [dreg:$0x0];
	s2 =	stileid.u32  }
0x159: {  	s1 =	rddreg [dreg:$0x1];
	p0 =	sne.s32 s2, $0x0  }
0x15a: {  	s3 =	rddreg [dreg:$0x2];
	[bflag:$0x3] =	sbarrier.arrive $0xFFFF;
	s2 =	simm.s32 @!p0 $0x1C05  }
0x15b: {  	[timem:s3], [sflag:s2] =	dma.local @!p0 [hbm:s0], s1  }
0x15c: {  	s0 =	simm.s32 @!p0 $0x5  }
0x15d: {  	_ =	swait.ge @!p0 [sflag:s0], s1  }
0x15e: {  	s1 =	ssub.s32 @!p0 $0x0, s1;
	[sflag:s0] =	ssyncset.done @!p0 $0x0  }
0x15f: {  	[sflag:s0] =	ssyncadd.s32 @!p0 s1  }
0x160: {  	[bflag:$0x3] =	sbarrier.arrive $0xFFFF  }
0x161: {  	_ =	shalt  }

// kernel: sparse-core-data-format-call.cloned.1.call-start
scs
called_computation_lowered:
.L_overlay_start_0:
0x0: {  	s2 =	sld [smem:$0x3FD9]  }
0x1: {  	s3 =	sld [smem:$0x3FFE];
	_ =	sdelay $0x1  }
0x2: {  	s1 =	srdreg.scid  }
0x3: {  	s0 =	sand.u32 $0x1, s1  }
0x4: {  	s18 =	sshll.u32 s0, $0xA;
	s2 =	sadd.s32 s3, s2  }
0x5: {  	s2 =	sadd.s32 s2, s18  }
0x6: {  	[smem:$0x3FC5] =	sst s2  }
0x7: {  	_ = 	snop  }
0x8: {  	s2 =	sld [smem:$0x3FD0];
	(tm) =	ssettm $0x1  }
0x9: {  	s19 =	sld [smem:$0x3FFB];
	_ =	sdelay $0x3  }
0xa: {  	_ =	strace s19  }
0xb: {  	s3 =	sld [smem:$0x3FFC];
	_ =	sdelay $0x3  }
0xc: {  	_ =	strace s3  }
0xd: {  	s3 =	sld [smem:$0x3FFD];
	_ =	sdelay $0x3  }
0xe: {  	_ =	strace s3  }
0xf: {  	_ =	strace $0x8FFFFFFF  }
0x10: {  	s20 =	sld [smem:$0x3FDB];
	_ =	sdelay $0x1  }
0x11: {  	s4 =	simm.s32 $_scs_section_size  }
0x12: {  	s5 =	simm.s32 $_size__tile_overlayer_lowered;
	s6 =	simm.s32 $_tile_overlayer_lowered  }
0x13: {  	s23 =	simm.s32 $0x1BFF;
	s22 =	sshll.u32 s6, $0x1;
	s3 =	sadd.s32 s4, s20  }
0x14: {  	s7 =	simm.s32 $0x0;
	s21 =	sshll.u32 s5, $0x1;
	s5 =	sadd.s32 s22, s3  }
0x15: {  	[timem:s7], [sflag:s23] =	dma.local [hbm:s5], s21  }
0x16: {  	_ =	swait.ge [sflag:s23], s21  }
0x17: {  	s4 =	ssub.s32 $0x0, s21;
	[sflag:s23] =	ssyncset.done $0x0  }
0x18: {  	[sflag:s23] =	ssyncadd.s32 s4;
	_ =	sdelay $0x1  }
0x19: {  	s24 =	simm.s32 $0x1B8B  }
0x1a: {  	_ =	swait.ge [sflag:s24], $0x1  }
0x1b: {  	[sflag:s24] =	ssyncset.done $0x0  }
0x1c: {  	s26 =	simm.s32 $0x1B8E;
	s25 =	sld [smem:$0x3FFE];
	[sflag:s24] =	ssyncadd.s32 $0xFFFFFFFF  }
0x1d: {  	s27 =	simm.s32 $execute0_lowered;
	[smem:$0x3FD2] =	sst s26  }
0x1e: {  	s5 =	sshll.u32 s27, $0x1;
	_ =	strace $0x80000049;
	[dreg:$0x1] =	wrdreg $0xFFFFFFFF  }
0x1f: {  	s28 =	simm.s32 $_size_execute0_lowered;
	s3 =	sadd.s32 s3, s5;
	[dreg:$0x0] =	wrdreg $0x0  }
0x20: {  	s5 =	sshll.u32 s28, $0x1;
	[dreg:$0x2] =	wrdreg s3  }
0x21: {  	[dreg:$0x3] =	wrdreg s5  }
0x22: {  	[dreg:$0x4] =	wrdreg $0xC0  }
0x23: {  	_ =	task [dreg:s7], $0x5FFFF  }
0x24: {  	[dreg:$0x1] =	wrdreg $0xFFFFFFFF  }
0x25: {  	[dreg:$0x0] =	wrdreg $0x60  }
0x26: {  	[dreg:$0x2] =	wrdreg s25  }
0x27: {  	[dreg:$0x3] =	wrdreg s2  }
0x28: {  	[dreg:$0x4] =	wrdreg $0x9  }
0x29: {  	_ =	task.clear_ibuf [dreg:s7], $0x5FFFF;
	_ =	strace $0x90000049  }
0x2a: {  	s29 =	simm.s32 $0x9;
	_ =	strace $0x8000004B  }
0x2b: {  	_ =	swait.ge [sflag:s29], $0x1  }
0x2c: {  	[sflag:s29] =	ssyncadd.s32 $0xFFFFFFFF  }
0x2d: {  	_ =	strace $0x9000004B  }
0x2e: {  	_ =	sfence  }
0x2f: {  	s30 =	sld [smem:$0x0];
	_ =	sdelay $0x2  }
0x30: {  	s31 =	sshll.u32 s1, $0xD;
	s1 =	sshrl.u32 s1, $0x2  }
0x31: {  	s3 =	sand.u32 $0x4000, s31;
	s1 =	sadd.s32 s1, s30  }
0x32: {  	s0 =	sor.u32 s3, s0;
	s1 =	sshll.u32 s1, $0x11  }
0x33: {  	s0 =	sor.u32 s1, s0  }
0x34: {  	s0 =	sadd.s32 $0x8F2B, s0  }
0x35: {  	[sflag:s0] =	ssyncadd.remote.s32 $0x1  }
0x36: {  	_ =	sfence.sel $0xFFFF  }
0x37: {  	[dreg:$0x0] =	wrdreg $0xFFFFFFFF;
	(pc) =	sbr.abs _section_cstart, $3  }
0x38: {  	[dreg:$0x1] =	wrdreg $0xFFFFFFFF  }
0x39: {  	_ =	task.clear_ibuf [dreg:s7], $0x2FFFF;
	_ =	strace $0x9FFFFFFF  }
0x3a: {  	(tm) =	ssettm $0x7FFFFFFF  }
0x3b: {  	_ =	shalt  }
tec
execute0_lowered:
.L_overlay_start_1:
0x0: {  	(tag) =	ssettag $0x1  }
0x1: {  	s0 =	stileid.u32;
	s6 =	rddreg [dreg:$0x0]  }
0x2: {  	s2 =	rddreg [dreg:$0x1];
	s5 =	srdreg.scid  }
0x3: {  	s31 =	simm.s32 $0x2;
	s13 =	simm.s32 $0x0;
	s1 =	sshll.u32 s0, $0x7  }
0x4: {  	s14 =	simm.s32 $0x0;
	s12 =	simm.s32 $0x0;
	s3 =	sand.u32 $0x380, s1  }
0x5: {  	s5 =	sshll.u32 s5, $0x4;
	s6 =	sadd.s32 $0xC00, s6;
	s4 =	ssub.s32 $0x400, s3  }
0x6: {  	s1 =	rddreg [dreg:$0x2];
	_ =	strace $0x8000004A;
	s7 =	sand.u32 $0x380, s4  }
0x7: {  	s5 =	sand.u32 $0x10, s5;
	p0 =	sne.s32 s7, $0x0;
	s7 =	simm.s32 $0x1  }
.Ltmp0:
0x8: {  	s8 =	sshrl.u32 s4, $0xA;
	s7 =	simm.s32 @!p0 $0x0;
	(pc) =	sbr.rel .LBB1_1-.Ltmp0, $4  }
0x9: {  	s9 =	sor.u32 s0, s5;
	s4 =	simm.s32 $0x1;
	s30 =	sadd.s32 s7, s8  }
0xa: {  	s11 =	smov.u32 s3;
	[sflag:s4] =	ssyncpa.u1 $0x0;
	s5 =	smul.u32 $0x32, s30  }
0xb: {  	[sflag:s31] =	ssyncpa.u1 $0x0;
	p0 =	por $0x0, $0x0;
	s7 =	sshrl.u32 s9, $0x3  }
0xc: {  	s9 =	simm.s32 $0x2000;
	s10 =	smov.u32 s7;
	s8 =	sor.u32 $0x1, s5  }
.LBB1_4:
0xd: {  	s17 =	sand.u32 $0x1F80, s14;
	s13 =	sshll.u32 s13, $0xD  }
0xe: {  	[tilespmem:s16+$0x810 ss:$0x81] =	vst.msk $0xffff, v2;
	s18 =	sshrl.u32 s14, $0x3;
	s31 =	sand.u32 $0x7, s14;
	s17 =	sadd.s32 s2, s17  }
0xf: {  	[tilespmem:s16+$0x1020 ss:$0x81] =	vst.msk $0xffff, v0;
	s18 =	sand.u32 $0xF, s18;
	s14 =	sshll.u32 s31, $0x12;
	s13 =	sadd.s32 s13, s17  }
0x10: {  	[tilespmem:s16+$0x0 ss:$0x81] =	vst.msk $0xffff, v1;
	s14 =	sor.u32 $0x400, s14;
	s13 =	sadd.s32 s18, s13  }
0x11: {  	[hbm4b:s13+s14] =	stream.strided.scatter [tilespmem:s15], [sflag:$0x2], $0x2000, s9, s14, $0x20;
	[tilespmem:$0x8080] =	vst v63  }
.LBB1_5:
0x12: {  	s15 =	sadd.s32 $0x4, s10  }
0x13: {  	s13 =	sadd.s32 $0x400, s11;
	s17 =	smov.u32 s11;
	p2 =	sgt.s32 s15, $0xC7  }
0x14: {  	s17 =	smov.u32 @p2 s13  }
0x15: {  	s15 =	smov.u32 @p2 s7;
	p2 =	sgt.s32 s17, $0x3FF  }
0x16: {  	s17 =	smov.u32 @p2 s3;
	p2 =	sne.s32 s12, s8  }
.Ltmp1:
0x17: {  	p1 =	slt.u32 s12, $0x2;
	(pc) =	sbr.rel @!p2 .LBB1_6-.Ltmp1, $4  }
0x18: {  	s16 =	simm.s32 @!p1 $0x2  }
0x19: {  	s14 =	smov.u32 s11;
	p0 =	por !p0, !p0;
	_ =	swait.ge @!p1 [sflag:s16], $0x2000  }
0x1a: {  	s13 =	smov.u32 s10;
	[sflag:s16] =	ssyncset.done @!p1 $0x0;
	s10 =	smov.u32 s15  }
0x1b: {  	s12 =	sadd.s32 $0x1, s12;
	[sflag:s16] =	ssyncadd.s32 @!p1 $0xFFFFE000;
	s11 =	smov.u32 s17  }
.LBB1_1:
0x1c: {  	p1 =	sge.u32 s12, s5  }
0x1d: {  	s15 =	sand.u32 @!p1 $0x1FFFFFF, s10  }
0x1e: {  	s16 =	smulhi.u32 @!p1 $0x147AE15, s15;
	_ =	sdelay $0x1  }
0x1f: {  	s16 =	smul.u32 @!p1 $0xC8, s16  }
0x20: {  	s17 =	sxor.u32 @!p1 $0xFFFFFFFF, s12;
	s18 =	smul.u32 @!p1 $0xC80, s11  }
0x21: {  	s31 =	sadd.s32 $0xFFFFFFFF, s12;
	s17 =	sshll.u32 @!p1 s17, $0xD;
	s15 =	ssub.s32 @!p1 s15, s16  }
0x22: {  	s16 =	sand.u32 @!p1 $0x2000, s17;
	s17 =	sadd.s32 @!p1 s6, s18;
	s15 =	sshll.u32 @!p1 s15, $0x4  }
0x23: {  	s18 =	simm.s32 @!p1 $0x6400;
	s15 =	sadd.s32 @!p1 s15, s17;
	s17 =	simm.s32 @!p1 $0x40  }
0x24: {  	[tilespmem:s16], [sflag:$0x1] =	stream.strided.gather @!p1 [hbm4b:s15+s17], $0x2000, s18, s17, $0x38;
	[tilespmem:$0x8080] =	vst v63  }
0x25: {  	p1 =	sge.u32 s31, s5  }
.Ltmp2:
0x26: {  	_ = 	snop;
	(pc) =	sbr.rel @p1 .LBB1_5-.Ltmp2, $1  }
0x27: {  	_ =	sdelay $0x3  }
0x28: {  	s15 =	simm.s32 $0x1  }
0x29: {  	_ =	swait.ge [sflag:s4], $0x2000;
	s15 =	simm.s32 @!p0 $0x0  }
0x2a: {  	[sflag:s4] =	ssyncset.done $0x0;
	s16 =	sshll.u32 s15, $0xD  }
0x2b: {  	[sflag:s4] =	ssyncadd.s32 $0xFFFFE000;
	s19 =	sor.u32 $0x20, s16  }
0x2c: {  	s15 =	smul.u32 $0x8100, s15;
	v3 =	vld [tilespmem:s19+$0x10]  }
0x2d: {  	s30 =	sand.u32 $0x1, s12;
	v2 =	vld [tilespmem:s19+$0xFFFFFFF0]  }
0x2e: {  	s16 =	smul.u32 $0x8100, s30;
	s15 =	sshrl.u32 s15, $0x2;
	v0 =	vld [tilespmem:s19+$0x0]  }
0x2f: {  	v1 =	vld [tilespmem:s19+$0xFFFFFFE0];
	s17 =	sor.u32 $0x4000, s15  }
0x30: {  	s31 =	sshrl.u32 s16, $0x2;
	s16 =	sadd.s32 $0x0, s17  }
0x31: {  	s18 =	simm.s32 $0x4;
	s19 =	sadd.s32 $0x40, s19;
	s15 =	sor.u32 $0x4000, s31;
	[tilespmem:s16+$0x1830 ss:$0x81] =	vst.msk $0xffff, v3  }
.LBB1_3:
0x32: {  	v3 =	vld [tilespmem:s19+$0x10];
	p1 =	sne.s32 s18, $0x1FC;
	[tilespmem:s16+$0x810 ss:$0x81] =	vst.msk $0xffff, v2;
	s20 =	smov.u32 s18;
	s18 =	sadd.s32 $0x4, s18  }
.Ltmp3:
0x33: {  	v2 =	vld [tilespmem:s19+$0xFFFFFFF0];
	[tilespmem:s16+$0x1020 ss:$0x81] =	vst.msk $0xffff, v0;
	(pc) =	sbr.rel @p1 .LBB1_3-.Ltmp3, $4  }
0x34: {  	v0 =	vld [tilespmem:s19+$0x0];
	[tilespmem:s16+$0x0 ss:$0x81] =	vst.msk $0xffff, v1  }
0x35: {  	s16 =	sshra.s32 s20, $0x2;
	v1 =	vld [tilespmem:s19+$0xFFFFFFE0]  }
0x36: {  	s16 =	sadd.s32 s16, s17  }
0x37: {  	s19 =	sadd.s32 $0x40, s19;
	[tilespmem:s16+$0x1830 ss:$0x81] =	vst.msk $0xffff, v3  }
.Ltmp4:
0x38: {  	_ = 	snop;
	(pc) =	sbr.rel .LBB1_4-.Ltmp4, $1  }
0x39: {  	_ =	sdelay $0x3  }
.LBB1_6:
0x3a: {  	_ =	sfence.sel $0x180000  }
0x3b: {  	s2 =	simm.s32 $0x1;
	[bflag:$0x0] =	sbarrier.arrive $0xFFFF  }
0x3c: {  	s31 =	simm.s32 $0x2;
	[sflag:s2] =	ssyncpa.u1 $0x1  }
0x3d: {  	[sflag:s31] =	ssyncpa.u1 $0x1  }
0x3e: {  	p0 =	sne.s32 s0, $0x0;
	_ =	strace $0x9000004A  }
0x3f: {  	s0 =	sadd.s32 @!p0 $0x100000, s1;
	[bflag:$0x2] =	sbarrier.arrive $0xFFFF  }
0x40: {  	[sflag:s0] =	ssyncadd.tile.s32 @!p0 $0x1;
	_ =	shalt  }
.Lfunc_end1:
_tile_overlayer_lowered:
.L_overlay_start_2:
0x41: {  	(tag) =	ssettag $0x2  }
0x42: {  	s0 =	rddreg [dreg:$0x0];
	s2 =	stileid.u32  }
0x43: {  	s1 =	rddreg [dreg:$0x1];
	p0 =	sne.s32 s2, $0x0  }
0x44: {  	s3 =	rddreg [dreg:$0x2];
	[bflag:$0x3] =	sbarrier.arrive $0xFFFF;
	s2 =	simm.s32 @!p0 $0x1C01  }
0x45: {  	[timem:s3], [sflag:s2] =	dma.local @!p0 [hbm:s0], s1  }
0x46: {  	s0 =	simm.s32 @!p0 $0x1  }
0x47: {  	_ =	swait.ge @!p0 [sflag:s0], s1  }
0x48: {  	s1 =	ssub.s32 @!p0 $0x0, s1;
	[sflag:s0] =	ssyncset.done @!p0 $0x0  }
0x49: {  	[sflag:s0] =	ssyncadd.s32 @!p0 s1  }
0x4a: {  	[bflag:$0x3] =	sbarrier.arrive $0xFFFF  }
0x4b: {  	_ =	shalt  }

</sc_bundles>
